<compile_context>
chip_gen: v7x
topology: tpu7x:2x2x1
jax: 0.10.2.dev20260603
libtpu: 0.0.44.dev20260713+nightly
codegen_flags: <defaults>
</compile_context>

<pallas_src>
import dataclasses
import functools

import jax
import jax.numpy as jnp
from jax import lax
from jax.experimental import pallas as pl
from jax.experimental.pallas import tpu as pltpu
from jax.experimental.pallas import tpu_sc as plsc

_NUM_WORKERS = 32


def _sc_gather_rows(table3, idx):
    _, V, D = table3.shape
    B = idx.shape[0]
    bpw = B // _NUM_WORKERS
    mesh = plsc.VectorSubcoreMesh(core_axis_name="c", subcore_axis_name="s")
    cp = pltpu.CompilerParams()
    if "needs_layout_passes" in pltpu.CompilerParams.__dataclass_fields__:
        cp = dataclasses.replace(cp, needs_layout_passes=False)

    @functools.partial(
        pl.kernel,
        mesh=mesh,
        compiler_params=cp,
        out_type=jax.ShapeDtypeStruct((B, D), jnp.float32),
        scratch_types=[
            pltpu.VMEM((bpw,), jnp.int32),
            pltpu.VMEM((bpw, D), jnp.float32),
            pltpu.SemaphoreType.DMA,
        ],
    )
    def k(t_hbm, i_hbm, out_hbm, idx_v, rows_v, sem):
        t2 = t_hbm.at[0]
        wid = lax.axis_index("s") * 2 + lax.axis_index("c")
        base = wid * bpw
        pltpu.sync_copy(i_hbm.at[pl.ds(base, bpw)], idx_v)
        lane = lax.iota(jnp.int32, 16)

        @pl.loop(0, bpw, step=16)
        def _(j):
            v = idx_v[pl.ds(j, 16)]
            for u in range(16):
                s = jnp.sum(jnp.where(lane == u, v, 0))
                pltpu.async_copy(t2.at[s], rows_v.at[j + u], sem)

        @pl.loop(0, bpw)
        def _(i):
            pltpu.make_async_copy(t2.at[0], rows_v.at[i], sem).wait()

        pltpu.sync_copy(rows_v, out_hbm.at[pl.ds(base, bpw)])

    return k(table3, idx)


def _mlp_body(m_ref, gidf_ref, gt_ref, w1_ref, b1_ref, w2_ref, b2_ref,
              w3_ref, b3_ref, o_ref):
    m_emb = m_ref[...]
    blk = m_emb.shape[0]
    P = gt_ref.shape[0]
    lane = lax.broadcasted_iota(jnp.int32, (blk, P), 1).astype(jnp.float32)
    onehot = jnp.where(lane == gidf_ref[...], 1.0, 0.0)
    g_emb = jnp.dot(onehot, gt_ref[...], preferred_element_type=jnp.float32)
    x = m_emb + g_emb
    h = jnp.dot(x, w1_ref[...], preferred_element_type=jnp.float32)
    h = jnp.maximum(h + b1_ref[...], 0.0)
    h = jnp.dot(h, w2_ref[...], preferred_element_type=jnp.float32)
    h = jnp.maximum(h + b2_ref[...], 0.0)
    logits = jnp.dot(h, w3_ref[...], preferred_element_type=jnp.float32)
    logits = logits + b3_ref[...]
    mx = jnp.max(logits, axis=-1, keepdims=True)
    e = jnp.exp(logits - mx)
    o_ref[...] = e / jnp.sum(e, axis=-1, keepdims=True)


def _mlp_softmax(m_emb, gid_f, gt_pad, W1, b1, W2, b2, W3p, b3p, blk=2048):
    B, D = m_emb.shape
    GP = gt_pad.shape[0]
    H1 = W1.shape[1]
    H2 = W2.shape[1]
    P = W3p.shape[1]
    return pl.pallas_call(
        _mlp_body,
        grid=(B // blk,),
        in_specs=[
            pl.BlockSpec((blk, D), lambda i: (i, 0)),
            pl.BlockSpec((blk, 1), lambda i: (i, 0)),
            pl.BlockSpec((GP, D), lambda i: (0, 0)),
            pl.BlockSpec((D, H1), lambda i: (0, 0)),
            pl.BlockSpec((1, H1), lambda i: (0, 0)),
            pl.BlockSpec((H1, H2), lambda i: (0, 0)),
            pl.BlockSpec((1, H2), lambda i: (0, 0)),
            pl.BlockSpec((H2, P), lambda i: (0, 0)),
            pl.BlockSpec((1, P), lambda i: (0, 0)),
        ],
        out_specs=pl.BlockSpec((blk, P), lambda i: (i, 0)),
        out_shape=jax.ShapeDtypeStruct((B, P), jnp.float32),
    )(m_emb, gid_f, gt_pad, W1, b1.reshape(1, H1), W2, b2.reshape(1, H2),
      W3p, b3p.reshape(1, P))


def kernel(movie_id, genre_id, movie_table, genre_table, W1, b1, W2, b2, W3,
           b3):
    B = movie_id.shape[0]
    V, D = movie_table.shape
    m_emb = _sc_gather_rows(movie_table.reshape(1, V, D),
                            movie_id.astype(jnp.int32))
    gid_f = genre_id.astype(jnp.float32).reshape(B, 1)
    G = genre_table.shape[0]
    gt_pad = jnp.pad(genre_table, ((0, (-G) % 128), (0, 0)))
    NG = W3.shape[1]
    pad = (-NG) % 128
    W3p = jnp.pad(W3, ((0, 0), (0, pad)))
    b3p = jnp.concatenate([b3, jnp.full((pad,), -1e30, dtype=b3.dtype)])
    out = _mlp_softmax(m_emb, gid_f, gt_pad, W1, b1, W2, b2, W3p, b3p)
    return out[:, :NG]

# --- scband reference (transcript-rebuilt; emitter-appended) ---
"""Pipeline reference for scband-movie-recommendation-model-52991306498313 (READ-ONLY COPY).

The authoritative reference and input builder live on the scoring server;
editing this copy changes nothing except your own understanding.
"""

import jax, jax.numpy as jnp
import numpy as np

NUM_MOVIES = 1000000
NUM_GENRES = 100
EMB = 64
B = 16384


def setup_inputs(seed: int = 0) -> dict:
    key = jax.random.key(seed)
    ks = jax.random.split(key, 10)
    movie_id = jax.random.randint(ks[0], (B,), 0, NUM_MOVIES)
    genre_id = jax.random.randint(ks[1], (B,), 0, NUM_GENRES)
    movie_table = jax.random.normal(ks[2], (NUM_MOVIES, EMB), dtype=jnp.float32) * 0.02
    genre_table = jax.random.normal(ks[3], (NUM_GENRES, EMB), dtype=jnp.float32) * 0.02
    W1 = jax.random.normal(ks[4], (EMB, 128), dtype=jnp.float32) * 0.05
    b1 = jnp.zeros((128,), dtype=jnp.float32)
    W2 = jax.random.normal(ks[5], (128, 64), dtype=jnp.float32) * 0.05
    b2 = jnp.zeros((64,), dtype=jnp.float32)
    W3 = jax.random.normal(ks[6], (64, NUM_GENRES), dtype=jnp.float32) * 0.05
    b3 = jnp.zeros((NUM_GENRES,), dtype=jnp.float32)
    return {
        "movie_id": movie_id,
        "genre_id": genre_id,
        "movie_table": movie_table,
        "genre_table": genre_table,
        "W1": W1, "b1": b1,
        "W2": W2, "b2": b2,
        "W3": W3, "b3": b3,
    }


def reference(movie_id, genre_id, movie_table, genre_table, W1, b1, W2, b2, W3, b3):
    # Embedding lookups (gather)
    movie_emb = jnp.take(movie_table, movie_id, axis=0)
    genre_emb = jnp.take(genre_table, genre_id, axis=0)
    combined = movie_emb + genre_emb
    # genre_dense Sequential (Dropout is identity at inference)
    h = jax.nn.relu(combined @ W1 + b1)
    h = jax.nn.relu(h @ W2 + b2)
    logits = h @ W3 + b3
    return jax.nn.softmax(logits, axis=-1)

if __name__ == "__main__":
    import jax
    _d = setup_inputs()
    print(jax.jit(kernel)(*tuple(_d.values())))

</pallas_src>

<mosaic_0001>
#map = affine_map<(d0, d1) -> (0, 0, 0)>
#map1 = affine_map<(d0, d1) -> (0)>
#map2 = affine_map<(d0, d1) -> (0, 0)>
module attributes {stable_mosaic.version = 14 : i64} {
  func.func @k(%arg0: i32, %arg1: i32, %arg2: memref<1x1000000x64xf32, #tpu.memory_space<hbm>>, %arg3: memref<16384xi32, #tpu.memory_space<hbm>>, %arg4: memref<16384x64xf32, #tpu.memory_space<hbm>>, %arg5: memref<512xi32, #tpu.memory_space<vmem>>, %arg6: memref<512x64xf32, #tpu.memory_space<vmem>>, %arg7: memref<!tpu.dma_semaphore, #tpu.memory_space<semaphore_mem>>) attributes {dimension_semantics = [#tpu.dimension_semantics<core_parallel>, #tpu.dimension_semantics<subcore_parallel>], iteration_bounds = array<i64: 2, 16>, scalar_prefetch = 0 : i64, scratch_operands = 3 : i64, tpu.core_type = #tpu.core_type<sc_vector_subcore>, window_params = [{transform_indices = #map}, {transform_indices = #map1}, {transform_indices = #map2}]} {
    %mul3A = arith.constant 2 : i32
    %mul3A_0 = arith.muli %arg1, %mul3A : i32
    %add3A = arith.addi %mul3A_0, %arg0 : i32
    %mul3A_1 = arith.constant 512 : i32
    %mul3A_2 = arith.muli %add3A, %mul3A_1 : i32
    "tpu.region"() ({
      %run_scoped3A = tpu.sem_alloc : memref<!tpu.dma_semaphore, #tpu.memory_space<semaphore_mem>>
      %dma_start3A = tpu.memref_slice %arg3[%mul3A_2] : memref<16384xi32, #tpu.memory_space<hbm>> -> memref<512xi32, #tpu.memory_space<hbm>>
      %dma_start3A_14 = tpu.memref_slice %arg3[%mul3A_2] : memref<16384xi32, #tpu.memory_space<hbm>> -> memref<512xi32, #tpu.memory_space<hbm>>
      tpu.enqueue_dma source(%dma_start3A_14 : memref<512xi32, #tpu.memory_space<hbm>>) target(%arg5 : memref<512xi32, #tpu.memory_space<vmem>>) target_semaphore(%run_scoped3A : memref<!tpu.dma_semaphore, #tpu.memory_space<semaphore_mem>>)
      %dma_wait3A = tpu.memref_slice %arg3[%mul3A_2] : memref<16384xi32, #tpu.memory_space<hbm>> -> memref<512xi32, #tpu.memory_space<hbm>>
      %dma_wait3A_15 = tpu.memref_slice %arg3[%mul3A_2] : memref<16384xi32, #tpu.memory_space<hbm>> -> memref<512xi32, #tpu.memory_space<hbm>>
      tpu.wait_dma2 semaphore(%run_scoped3A : memref<!tpu.dma_semaphore, #tpu.memory_space<semaphore_mem>>) src(%dma_wait3A_15 : memref<512xi32, #tpu.memory_space<hbm>>) dst(%arg5 : memref<512xi32, #tpu.memory_space<vmem>>)
      tpu.yield
    }) : () -> ()
    %iota3A = tpu.iota {dimensions = array<i32: 0>} : vector<16xi32>
    %scan3A = arith.constant 0 : i32
    %scan3A_3 = arith.constant 0 : i32
    %scan3A_4 = arith.constant 32 : i32
    %scan3A_5 = arith.addi %scan3A_3, %scan3A_4 : i32
    %scan3A_6 = arith.constant 1 : i32
    scf.for %scan3A_14 = %scan3A_3 to %scan3A_5 step %scan3A_6  : i32 {
      %mul3A_15 = arith.constant 16 : i32
      %mul3A_16 = arith.muli %scan3A_14, %mul3A_15 : i32
      %add3A_17 = arith.constant 0 : i32
      %add3A_18 = arith.addi %add3A_17, %mul3A_16 : i32
      %get3A = arith.index_cast %add3A_18 : i32 to index
      %get3A_19 = tpu.vector_load %arg5[%get3A] {strides = array<i32>} : memref<512xi32, #tpu.memory_space<vmem>>, vector<16xi32>,
      %eq3A = arith.constant 0 : i32
      %eq3A_20 = vector.broadcast %eq3A : i32 to vector<16xi32>
      %eq3A_21 = arith.cmpi eq, %iota3A, %eq3A_20 : vector<16xi32>
      %jit3A = arith.constant 0 : i32
      %broadcast_in_dim3A = vector.broadcast %jit3A : i32 to vector<16xi32>
      %select_n3A = arith.select %eq3A_21, %get3A_19, %broadcast_in_dim3A : vector<16xi1>, vector<16xi32>
      %reduce_sum3A = arith.constant true
      %reduce_sum3A_22 = vector.broadcast %reduce_sum3A : i1 to vector<16xi1>
      %reduce_sum3A_23 = tpu.scan <sum>, %select_n3A masked %reduce_sum3A_22 : vector<16xi32>, vector<16xi1> -> vector<16xi32>
      %reduce_sum3A_24 = vector.extract %reduce_sum3A_23[15] : i32 from vector<16xi32>
      %add3A_25 = arith.constant 0 : i32
      %add3A_26 = arith.addi %add3A_18, %add3A_25 : i32
      %dma_start3A = arith.constant 0 : i32
      %dma_start3A_27 = tpu.memref_slice %arg6[%add3A_26, %dma_start3A] : memref<512x64xf32, #tpu.memory_space<vmem>> -> memref<1x64xf32, #tpu.memory_space<vmem>>
      %dma_start3A_28 = tpu.memref_squeeze %dma_start3A_27 : memref<1x64xf32, #tpu.memory_space<vmem>> -> memref<64xf32, #tpu.memory_space<vmem>>
      %dma_start3A_29 = arith.constant 0 : i32
      %dma_start3A_30 = arith.constant 0 : i32
      %dma_start3A_31 = tpu.memref_slice %arg2[%scan3A, %dma_start3A_29, %dma_start3A_30] : memref<1x1000000x64xf32, #tpu.memory_space<hbm>> -> memref<1x1000000x64xf32, #tpu.memory_space<hbm>>
      %dma_start3A_32 = tpu.memref_squeeze %dma_start3A_31 : memref<1x1000000x64xf32, #tpu.memory_space<hbm>> -> memref<1000000x64xf32, #tpu.memory_space<hbm>>
      %dma_start3A_33 = arith.constant 0 : i32
      %dma_start3A_34 = tpu.memref_slice %dma_start3A_32[%reduce_sum3A_24, %dma_start3A_33] : memref<1000000x64xf32, #tpu.memory_space<hbm>> -> memref<1x64xf32, #tpu.memory_space<hbm>>
      %dma_start3A_35 = tpu.memref_squeeze %dma_start3A_34 : memref<1x64xf32, #tpu.memory_space<hbm>> -> memref<64xf32, #tpu.memory_space<hbm>>
      %dma_start3A_36 = arith.constant 0 : i32
      %dma_start3A_37 = tpu.memref_slice %arg6[%add3A_26, %dma_start3A_36] : memref<512x64xf32, #tpu.memory_space<vmem>> -> memref<1x64xf32, #tpu.memory_space<vmem>>
      %dma_start3A_38 = tpu.memref_squeeze %dma_start3A_37 : memref<1x64xf32, #tpu.memory_space<vmem>> -> memref<64xf32, #tpu.memory_space<vmem>>
      %dma_start3A_39 = arith.constant 0 : i32
      %dma_start3A_40 = arith.constant 0 : i32
      %dma_start3A_41 = tpu.memref_slice %arg2[%scan3A, %dma_start3A_39, %dma_start3A_40] : memref<1x1000000x64xf32, #tpu.memory_space<hbm>> -> memref<1x1000000x64xf32, #tpu.memory_space<hbm>>
      %dma_start3A_42 = tpu.memref_squeeze %dma_start3A_41 : memref<1x1000000x64xf32, #tpu.memory_space<hbm>> -> memref<1000000x64xf32, #tpu.memory_space<hbm>>
      %dma_start3A_43 = arith.constant 0 : i32
      %dma_start3A_44 = tpu.memref_slice %dma_start3A_42[%reduce_sum3A_24, %dma_start3A_43] : memref<1000000x64xf32, #tpu.memory_space<hbm>> -> memref<1x64xf32, #tpu.memory_space<hbm>>
      %dma_start3A_45 = tpu.memref_squeeze %dma_start3A_44 : memref<1x64xf32, #tpu.memory_space<hbm>> -> memref<64xf32, #tpu.memory_space<hbm>>
      tpu.enqueue_dma source(%dma_start3A_45 : memref<64xf32, #tpu.memory_space<hbm>>) target(%dma_start3A_38 : memref<64xf32, #tpu.memory_space<vmem>>) target_semaphore(%arg7 : memref<!tpu.dma_semaphore, #tpu.memory_space<semaphore_mem>>)
      %eq3A_46 = arith.constant 1 : i32
      %eq3A_47 = vector.broadcast %eq3A_46 : i32 to vector<16xi32>
      %eq3A_48 = arith.cmpi eq, %iota3A, %eq3A_47 : vector<16xi32>
      %jit3A_49 = arith.constant 0 : i32
      %broadcast_in_dim3A_50 = vector.broadcast %jit3A_49 : i32 to vector<16xi32>
      %select_n3A_51 = arith.select %eq3A_48, %get3A_19, %broadcast_in_dim3A_50 : vector<16xi1>, vector<16xi32>
      %reduce_sum3A_52 = arith.constant true
      %reduce_sum3A_53 = vector.broadcast %reduce_sum3A_52 : i1 to vector<16xi1>
      %reduce_sum3A_54 = tpu.scan <sum>, %select_n3A_51 masked %reduce_sum3A_53 : vector<16xi32>, vector<16xi1> -> vector<16xi32>
      %reduce_sum3A_55 = vector.extract %reduce_sum3A_54[15] : i32 from vector<16xi32>
      %add3A_56 = arith.constant 1 : i32
      %add3A_57 = arith.addi %add3A_18, %add3A_56 : i32
      %dma_start3A_58 = arith.constant 0 : i32
      %dma_start3A_59 = tpu.memref_slice %arg6[%add3A_57, %dma_start3A_58] : memref<512x64xf32, #tpu.memory_space<vmem>> -> memref<1x64xf32, #tpu.memory_space<vmem>>
      %dma_start3A_60 = tpu.memref_squeeze %dma_start3A_59 : memref<1x64xf32, #tpu.memory_space<vmem>> -> memref<64xf32, #tpu.memory_space<vmem>>
      %dma_start3A_61 = arith.constant 0 : i32
      %dma_start3A_62 = arith.constant 0 : i32
      %dma_start3A_63 = tpu.memref_slice %arg2[%scan3A, %dma_start3A_61, %dma_start3A_62] : memref<1x1000000x64xf32, #tpu.memory_space<hbm>> -> memref<1x1000000x64xf32, #tpu.memory_space<hbm>>
      %dma_start3A_64 = tpu.memref_squeeze %dma_start3A_63 : memref<1x1000000x64xf32, #tpu.memory_space<hbm>> -> memref<1000000x64xf32, #tpu.memory_space<hbm>>
      %dma_start3A_65 = arith.constant 0 : i32
      %dma_start3A_66 = tpu.memref_slice %dma_start3A_64[%reduce_sum3A_55, %dma_start3A_65] : memref<1000000x64xf32, #tpu.memory_space<hbm>> -> memref<1x64xf32, #tpu.memory_space<hbm>>
      %dma_start3A_67 = tpu.memref_squeeze %dma_start3A_66 : memref<1x64xf32, #tpu.memory_space<hbm>> -> memref<64xf32, #tpu.memory_space<hbm>>
      %dma_start3A_68 = arith.constant 0 : i32
      %dma_start3A_69 = tpu.memref_slice %arg6[%add3A_57, %dma_start3A_68] : memref<512x64xf32, #tpu.memory_space<vmem>> -> memref<1x64xf32, #tpu.memory_space<vmem>>
      %dma_start3A_70 = tpu.memref_squeeze %dma_start3A_69 : memref<1x64xf32, #tpu.memory_space<vmem>> -> memref<64xf32, #tpu.memory_space<vmem>>
      %dma_start3A_71 = arith.constant 0 : i32
      %dma_start3A_72 = arith.constant 0 : i32
      %dma_start3A_73 = tpu.memref_slice %arg2[%scan3A, %dma_start3A_71, %dma_start3A_72] : memref<1x1000000x64xf32, #tpu.memory_space<hbm>> -> memref<1x1000000x64xf32, #tpu.memory_space<hbm>>
      %dma_start3A_74 = tpu.memref_squeeze %dma_start3A_73 : memref<1x1000000x64xf32, #tpu.memory_space<hbm>> -> memref<1000000x64xf32, #tpu.memory_space<hbm>>
      %dma_start3A_75 = arith.constant 0 : i32
      %dma_start3A_76 = tpu.memref_slice %dma_start3A_74[%reduce_sum3A_55, %dma_start3A_75] : memref<1000000x64xf32, #tpu.memory_space<hbm>> -> memref<1x64xf32, #tpu.memory_space<hbm>>
      %dma_start3A_77 = tpu.memref_squeeze %dma_start3A_76 : memref<1x64xf32, #tpu.memory_space<hbm>> -> memref<64xf32, #tpu.memory_space<hbm>>
      tpu.enqueue_dma source(%dma_start3A_77 : memref<64xf32, #tpu.memory_space<hbm>>) target(%dma_start3A_70 : memref<64xf32, #tpu.memory_space<vmem>>) target_semaphore(%arg7 : memref<!tpu.dma_semaphore, #tpu.memory_space<semaphore_mem>>)
      %eq3A_78 = arith.constant 2 : i32
      %eq3A_79 = vector.broadcast %eq3A_78 : i32 to vector<16xi32>
      %eq3A_80 = arith.cmpi eq, %iota3A, %eq3A_79 : vector<16xi32>
      %jit3A_81 = arith.constant 0 : i32
      %broadcast_in_dim3A_82 = vector.broadcast %jit3A_81 : i32 to vector<16xi32>
      %select_n3A_83 = arith.select %eq3A_80, %get3A_19, %broadcast_in_dim3A_82 : vector<16xi1>, vector<16xi32>
      %reduce_sum3A_84 = arith.constant true
      %reduce_sum3A_85 = vector.broadcast %reduce_sum3A_84 : i1 to vector<16xi1>
      %reduce_sum3A_86 = tpu.scan <sum>, %select_n3A_83 masked %reduce_sum3A_85 : vector<16xi32>, vector<16xi1> -> vector<16xi32>
      %reduce_sum3A_87 = vector.extract %reduce_sum3A_86[15] : i32 from vector<16xi32>
      %add3A_88 = arith.constant 2 : i32
      %add3A_89 = arith.addi %add3A_18, %add3A_88 : i32
      %dma_start3A_90 = arith.constant 0 : i32
      %dma_start3A_91 = tpu.memref_slice %arg6[%add3A_89, %dma_start3A_90] : memref<512x64xf32, #tpu.memory_space<vmem>> -> memref<1x64xf32, #tpu.memory_space<vmem>>
      %dma_start3A_92 = tpu.memref_squeeze %dma_start3A_91 : memref<1x64xf32, #tpu.memory_space<vmem>> -> memref<64xf32, #tpu.memory_space<vmem>>
      %dma_start3A_93 = arith.constant 0 : i32
      %dma_start3A_94 = arith.constant 0 : i32
      %dma_start3A_95 = tpu.memref_slice %arg2[%scan3A, %dma_start3A_93, %dma_start3A_94] : memref<1x1000000x64xf32, #tpu.memory_space<hbm>> -> memref<1x1000000x64xf32, #tpu.memory_space<hbm>>
      %dma_start3A_96 = tpu.memref_squeeze %dma_start3A_95 : memref<1x1000000x64xf32, #tpu.memory_space<hbm>> -> memref<1000000x64xf32, #tpu.memory_space<hbm>>
      %dma_start3A_97 = arith.constant 0 : i32
      %dma_start3A_98 = tpu.memref_slice %dma_start3A_96[%reduce_sum3A_87, %dma_start3A_97] : memref<1000000x64xf32, #tpu.memory_space<hbm>> -> memref<1x64xf32, #tpu.memory_space<hbm>>
      %dma_start3A_99 = tpu.memref_squeeze %dma_start3A_98 : memref<1x64xf32, #tpu.memory_space<hbm>> -> memref<64xf32, #tpu.memory_space<hbm>>
      %dma_start3A_100 = arith.constant 0 : i32
      %dma_start3A_101 = tpu.memref_slice %arg6[%add3A_89, %dma_start3A_100] : memref<512x64xf32, #tpu.memory_space<vmem>> -> memref<1x64xf32, #tpu.memory_space<vmem>>
      %dma_start3A_102 = tpu.memref_squeeze %dma_start3A_101 : memref<1x64xf32, #tpu.memory_space<vmem>> -> memref<64xf32, #tpu.memory_space<vmem>>
      %dma_start3A_103 = arith.constant 0 : i32
      %dma_start3A_104 = arith.constant 0 : i32
      %dma_start3A_105 = tpu.memref_slice %arg2[%scan3A, %dma_start3A_103, %dma_start3A_104] : memref<1x1000000x64xf32, #tpu.memory_space<hbm>> -> memref<1x1000000x64xf32, #tpu.memory_space<hbm>>
      %dma_start3A_106 = tpu.memref_squeeze %dma_start3A_105 : memref<1x1000000x64xf32, #tpu.memory_space<hbm>> -> memref<1000000x64xf32, #tpu.memory_space<hbm>>
      %dma_start3A_107 = arith.constant 0 : i32
      %dma_start3A_108 = tpu.memref_slice %dma_start3A_106[%reduce_sum3A_87, %dma_start3A_107] : memref<1000000x64xf32, #tpu.memory_space<hbm>> -> memref<1x64xf32, #tpu.memory_space<hbm>>
      %dma_start3A_109 = tpu.memref_squeeze %dma_start3A_108 : memref<1x64xf32, #tpu.memory_space<hbm>> -> memref<64xf32, #tpu.memory_space<hbm>>
      tpu.enqueue_dma source(%dma_start3A_109 : memref<64xf32, #tpu.memory_space<hbm>>) target(%dma_start3A_102 : memref<64xf32, #tpu.memory_space<vmem>>) target_semaphore(%arg7 : memref<!tpu.dma_semaphore, #tpu.memory_space<semaphore_mem>>)
      %eq3A_110 = arith.constant 3 : i32
      %eq3A_111 = vector.broadcast %eq3A_110 : i32 to vector<16xi32>
      %eq3A_112 = arith.cmpi eq, %iota3A, %eq3A_111 : vector<16xi32>
      %jit3A_113 = arith.constant 0 : i32
      %broadcast_in_dim3A_114 = vector.broadcast %jit3A_113 : i32 to vector<16xi32>
      %select_n3A_115 = arith.select %eq3A_112, %get3A_19, %broadcast_in_dim3A_114 : vector<16xi1>, vector<16xi32>
      %reduce_sum3A_116 = arith.constant true
      %reduce_sum3A_117 = vector.broadcast %reduce_sum3A_116 : i1 to vector<16xi1>
      %reduce_sum3A_118 = tpu.scan <sum>, %select_n3A_115 masked %reduce_sum3A_117 : vector<16xi32>, vector<16xi1> -> vector<16xi32>
      %reduce_sum3A_119 = vector.extract %reduce_sum3A_118[15] : i32 from vector<16xi32>
      %add3A_120 = arith.constant 3 : i32
      %add3A_121 = arith.addi %add3A_18, %add3A_120 : i32
      %dma_start3A_122 = arith.constant 0 : i32
      %dma_start3A_123 = tpu.memref_slice %arg6[%add3A_121, %dma_start3A_122] : memref<512x64xf32, #tpu.memory_space<vmem>> -> memref<1x64xf32, #tpu.memory_space<vmem>>
      %dma_start3A_124 = tpu.memref_squeeze %dma_start3A_123 : memref<1x64xf32, #tpu.memory_space<vmem>> -> memref<64xf32, #tpu.memory_space<vmem>>
      %dma_start3A_125 = arith.constant 0 : i32
      %dma_start3A_126 = arith.constant 0 : i32
      %dma_start3A_127 = tpu.memref_slice %arg2[%scan3A, %dma_start3A_125, %dma_start3A_126] : memref<1x1000000x64xf32, #tpu.memory_space<hbm>> -> memref<1x1000000x64xf32, #tpu.memory_space<hbm>>
      %dma_start3A_128 = tpu.memref_squeeze %dma_start3A_127 : memref<1x1000000x64xf32, #tpu.memory_space<hbm>> -> memref<1000000x64xf32, #tpu.memory_space<hbm>>
      %dma_start3A_129 = arith.constant 0 : i32
      %dma_start3A_130 = tpu.memref_slice %dma_start3A_128[%reduce_sum3A_119, %dma_start3A_129] : memref<1000000x64xf32, #tpu.memory_space<hbm>> -> memref<1x64xf32, #tpu.memory_space<hbm>>
      %dma_start3A_131 = tpu.memref_squeeze %dma_start3A_130 : memref<1x64xf32, #tpu.memory_space<hbm>> -> memref<64xf32, #tpu.memory_space<hbm>>
      %dma_start3A_132 = arith.constant 0 : i32
      %dma_start3A_133 = tpu.memref_slice %arg6[%add3A_121, %dma_start3A_132] : memref<512x64xf32, #tpu.memory_space<vmem>> -> memref<1x64xf32, #tpu.memory_space<vmem>>
      %dma_start3A_134 = tpu.memref_squeeze %dma_start3A_133 : memref<1x64xf32, #tpu.memory_space<vmem>> -> memref<64xf32, #tpu.memory_space<vmem>>
      %dma_start3A_135 = arith.constant 0 : i32
      %dma_start3A_136 = arith.constant 0 : i32
      %dma_start3A_137 = tpu.memref_slice %arg2[%scan3A, %dma_start3A_135, %dma_start3A_136] : memref<1x1000000x64xf32, #tpu.memory_space<hbm>> -> memref<1x1000000x64xf32, #tpu.memory_space<hbm>>
      %dma_start3A_138 = tpu.memref_squeeze %dma_start3A_137 : memref<1x1000000x64xf32, #tpu.memory_space<hbm>> -> memref<1000000x64xf32, #tpu.memory_space<hbm>>
      %dma_start3A_139 = arith.constant 0 : i32
      %dma_start3A_140 = tpu.memref_slice %dma_start3A_138[%reduce_sum3A_119, %dma_start3A_139] : memref<1000000x64xf32, #tpu.memory_space<hbm>> -> memref<1x64xf32, #tpu.memory_space<hbm>>
      %dma_start3A_141 = tpu.memref_squeeze %dma_start3A_140 : memref<1x64xf32, #tpu.memory_space<hbm>> -> memref<64xf32, #tpu.memory_space<hbm>>
      tpu.enqueue_dma source(%dma_start3A_141 : memref<64xf32, #tpu.memory_space<hbm>>) target(%dma_start3A_134 : memref<64xf32, #tpu.memory_space<vmem>>) target_semaphore(%arg7 : memref<!tpu.dma_semaphore, #tpu.memory_space<semaphore_mem>>)
      %eq3A_142 = arith.constant 4 : i32
      %eq3A_143 = vector.broadcast %eq3A_142 : i32 to vector<16xi32>
      %eq3A_144 = arith.cmpi eq, %iota3A, %eq3A_143 : vector<16xi32>
      %jit3A_145 = arith.constant 0 : i32
      %broadcast_in_dim3A_146 = vector.broadcast %jit3A_145 : i32 to vector<16xi32>
      %select_n3A_147 = arith.select %eq3A_144, %get3A_19, %broadcast_in_dim3A_146 : vector<16xi1>, vector<16xi32>
      %reduce_sum3A_148 = arith.constant true
      %reduce_sum3A_149 = vector.broadcast %reduce_sum3A_148 : i1 to vector<16xi1>
      %reduce_sum3A_150 = tpu.scan <sum>, %select_n3A_147 masked %reduce_sum3A_149 : vector<16xi32>, vector<16xi1> -> vector<16xi32>
      %reduce_sum3A_151 = vector.extract %reduce_sum3A_150[15] : i32 from vector<16xi32>
      %add3A_152 = arith.constant 4 : i32
      %add3A_153 = arith.addi %add3A_18, %add3A_152 : i32
      %dma_start3A_154 = arith.constant 0 : i32
      %dma_start3A_155 = tpu.memref_slice %arg6[%add3A_153, %dma_start3A_154] : memref<512x64xf32, #tpu.memory_space<vmem>> -> memref<1x64xf32, #tpu.memory_space<vmem>>
      %dma_start3A_156 = tpu.memref_squeeze %dma_start3A_155 : memref<1x64xf32, #tpu.memory_space<vmem>> -> memref<64xf32, #tpu.memory_space<vmem>>
      %dma_start3A_157 = arith.constant 0 : i32
      %dma_start3A_158 = arith.constant 0 : i32
      %dma_start3A_159 = tpu.memref_slice %arg2[%scan3A, %dma_start3A_157, %dma_start3A_158] : memref<1x1000000x64xf32, #tpu.memory_space<hbm>> -> memref<1x1000000x64xf32, #tpu.memory_space<hbm>>
      %dma_start3A_160 = tpu.memref_squeeze %dma_start3A_159 : memref<1x1000000x64xf32, #tpu.memory_space<hbm>> -> memref<1000000x64xf32, #tpu.memory_space<hbm>>
      %dma_start3A_161 = arith.constant 0 : i32
      %dma_start3A_162 = tpu.memref_slice %dma_start3A_160[%reduce_sum3A_151, %dma_start3A_161] : memref<1000000x64xf32, #tpu.memory_space<hbm>> -> memref<1x64xf32, #tpu.memory_space<hbm>>
      %dma_start3A_163 = tpu.memref_squeeze %dma_start3A_162 : memref<1x64xf32, #tpu.memory_space<hbm>> -> memref<64xf32, #tpu.memory_space<hbm>>
      %dma_start3A_164 = arith.constant 0 : i32
      %dma_start3A_165 = tpu.memref_slice %arg6[%add3A_153, %dma_start3A_164] : memref<512x64xf32, #tpu.memory_space<vmem>> -> memref<1x64xf32, #tpu.memory_space<vmem>>
      %dma_start3A_166 = tpu.memref_squeeze %dma_start3A_165 : memref<1x64xf32, #tpu.memory_space<vmem>> -> memref<64xf32, #tpu.memory_space<vmem>>
      %dma_start3A_167 = arith.constant 0 : i32
      %dma_start3A_168 = arith.constant 0 : i32
      %dma_start3A_169 = tpu.memref_slice %arg2[%scan3A, %dma_start3A_167, %dma_start3A_168] : memref<1x1000000x64xf32, #tpu.memory_space<hbm>> -> memref<1x1000000x64xf32, #tpu.memory_space<hbm>>
      %dma_start3A_170 = tpu.memref_squeeze %dma_start3A_169 : memref<1x1000000x64xf32, #tpu.memory_space<hbm>> -> memref<1000000x64xf32, #tpu.memory_space<hbm>>
      %dma_start3A_171 = arith.constant 0 : i32
      %dma_start3A_172 = tpu.memref_slice %dma_start3A_170[%reduce_sum3A_151, %dma_start3A_171] : memref<1000000x64xf32, #tpu.memory_space<hbm>> -> memref<1x64xf32, #tpu.memory_space<hbm>>
      %dma_start3A_173 = tpu.memref_squeeze %dma_start3A_172 : memref<1x64xf32, #tpu.memory_space<hbm>> -> memref<64xf32, #tpu.memory_space<hbm>>
      tpu.enqueue_dma source(%dma_start3A_173 : memref<64xf32, #tpu.memory_space<hbm>>) target(%dma_start3A_166 : memref<64xf32, #tpu.memory_space<vmem>>) target_semaphore(%arg7 : memref<!tpu.dma_semaphore, #tpu.memory_space<semaphore_mem>>)
      %eq3A_174 = arith.constant 5 : i32
      %eq3A_175 = vector.broadcast %eq3A_174 : i32 to vector<16xi32>
      %eq3A_176 = arith.cmpi eq, %iota3A, %eq3A_175 : vector<16xi32>
      %jit3A_177 = arith.constant 0 : i32
      %broadcast_in_dim3A_178 = vector.broadcast %jit3A_177 : i32 to vector<16xi32>
      %select_n3A_179 = arith.select %eq3A_176, %get3A_19, %broadcast_in_dim3A_178 : vector<16xi1>, vector<16xi32>
      %reduce_sum3A_180 = arith.constant true
      %reduce_sum3A_181 = vector.broadcast %reduce_sum3A_180 : i1 to vector<16xi1>
      %reduce_sum3A_182 = tpu.scan <sum>, %select_n3A_179 masked %reduce_sum3A_181 : vector<16xi32>, vector<16xi1> -> vector<16xi32>
      %reduce_sum3A_183 = vector.extract %reduce_sum3A_182[15] : i32 from vector<16xi32>
      %add3A_184 = arith.constant 5 : i32
      %add3A_185 = arith.addi %add3A_18, %add3A_184 : i32
      %dma_start3A_186 = arith.constant 0 : i32
      %dma_start3A_187 = tpu.memref_slice %arg6[%add3A_185, %dma_start3A_186] : memref<512x64xf32, #tpu.memory_space<vmem>> -> memref<1x64xf32, #tpu.memory_space<vmem>>
      %dma_start3A_188 = tpu.memref_squeeze %dma_start3A_187 : memref<1x64xf32, #tpu.memory_space<vmem>> -> memref<64xf32, #tpu.memory_space<vmem>>
      %dma_start3A_189 = arith.constant 0 : i32
      %dma_start3A_190 = arith.constant 0 : i32
      %dma_start3A_191 = tpu.memref_slice %arg2[%scan3A, %dma_start3A_189, %dma_start3A_190] : memref<1x1000000x64xf32, #tpu.memory_space<hbm>> -> memref<1x1000000x64xf32, #tpu.memory_space<hbm>>
      %dma_start3A_192 = tpu.memref_squeeze %dma_start3A_191 : memref<1x1000000x64xf32, #tpu.memory_space<hbm>> -> memref<1000000x64xf32, #tpu.memory_space<hbm>>
      %dma_start3A_193 = arith.constant 0 : i32
      %dma_start3A_194 = tpu.memref_slice %dma_start3A_192[%reduce_sum3A_183, %dma_start3A_193] : memref<1000000x64xf32, #tpu.memory_space<hbm>> -> memref<1x64xf32, #tpu.memory_space<hbm>>
      %dma_start3A_195 = tpu.memref_squeeze %dma_start3A_194 : memref<1x64xf32, #tpu.memory_space<hbm>> -> memref<64xf32, #tpu.memory_space<hbm>>
      %dma_start3A_196 = arith.constant 0 : i32
      %dma_start3A_197 = tpu.memref_slice %arg6[%add3A_185, %dma_start3A_196] : memref<512x64xf32, #tpu.memory_space<vmem>> -> memref<1x64xf32, #tpu.memory_space<vmem>>
      %dma_start3A_198 = tpu.memref_squeeze %dma_start3A_197 : memref<1x64xf32, #tpu.memory_space<vmem>> -> memref<64xf32, #tpu.memory_space<vmem>>
      %dma_start3A_199 = arith.constant 0 : i32
      %dma_start3A_200 = arith.constant 0 : i32
      %dma_start3A_201 = tpu.memref_slice %arg2[%scan3A, %dma_start3A_199, %dma_start3A_200] : memref<1x1000000x64xf32, #tpu.memory_space<hbm>> -> memref<1x1000000x64xf32, #tpu.memory_space<hbm>>
      %dma_start3A_202 = tpu.memref_squeeze %dma_start3A_201 : memref<1x1000000x64xf32, #tpu.memory_space<hbm>> -> memref<1000000x64xf32, #tpu.memory_space<hbm>>
      %dma_start3A_203 = arith.constant 0 : i32
      %dma_start3A_204 = tpu.memref_slice %dma_start3A_202[%reduce_sum3A_183, %dma_start3A_203] : memref<1000000x64xf32, #tpu.memory_space<hbm>> -> memref<1x64xf32, #tpu.memory_space<hbm>>
      %dma_start3A_205 = tpu.memref_squeeze %dma_start3A_204 : memref<1x64xf32, #tpu.memory_space<hbm>> -> memref<64xf32, #tpu.memory_space<hbm>>
      tpu.enqueue_dma source(%dma_start3A_205 : memref<64xf32, #tpu.memory_space<hbm>>) target(%dma_start3A_198 : memref<64xf32, #tpu.memory_space<vmem>>) target_semaphore(%arg7 : memref<!tpu.dma_semaphore, #tpu.memory_space<semaphore_mem>>)
      %eq3A_206 = arith.constant 6 : i32
      %eq3A_207 = vector.broadcast %eq3A_206 : i32 to vector<16xi32>
      %eq3A_208 = arith.cmpi eq, %iota3A, %eq3A_207 : vector<16xi32>
      %jit3A_209 = arith.constant 0 : i32
      %broadcast_in_dim3A_210 = vector.broadcast %jit3A_209 : i32 to vector<16xi32>
      %select_n3A_211 = arith.select %eq3A_208, %get3A_19, %broadcast_in_dim3A_210 : vector<16xi1>, vector<16xi32>
      %reduce_sum3A_212 = arith.constant true
      %reduce_sum3A_213 = vector.broadcast %reduce_sum3A_212 : i1 to vector<16xi1>
      %reduce_sum3A_214 = tpu.scan <sum>, %select_n3A_211 masked %reduce_sum3A_213 : vector<16xi32>, vector<16xi1> -> vector<16xi32>
      %reduce_sum3A_215 = vector.extract %reduce_sum3A_214[15] : i32 from vector<16xi32>
      %add3A_216 = arith.constant 6 : i32
      %add3A_217 = arith.addi %add3A_18, %add3A_216 : i32
      %dma_start3A_218 = arith.constant 0 : i32
      %dma_start3A_219 = tpu.memref_slice %arg6[%add3A_217, %dma_start3A_218] : memref<512x64xf32, #tpu.memory_space<vmem>> -> memref<1x64xf32, #tpu.memory_space<vmem>>
      %dma_start3A_220 = tpu.memref_squeeze %dma_start3A_219 : memref<1x64xf32, #tpu.memory_space<vmem>> -> memref<64xf32, #tpu.memory_space<vmem>>
      %dma_start3A_221 = arith.constant 0 : i32
      %dma_start3A_222 = arith.constant 0 : i32
      %dma_start3A_223 = tpu.memref_slice %arg2[%scan3A, %dma_start3A_221, %dma_start3A_222] : memref<1x1000000x64xf32, #tpu.memory_space<hbm>> -> memref<1x1000000x64xf32, #tpu.memory_space<hbm>>
      %dma_start3A_224 = tpu.memref_squeeze %dma_start3A_223 : memref<1x1000000x64xf32, #tpu.memory_space<hbm>> -> memref<1000000x64xf32, #tpu.memory_space<hbm>>
      %dma_start3A_225 = arith.constant 0 : i32
      %dma_start3A_226 = tpu.memref_slice %dma_start3A_224[%reduce_sum3A_215, %dma_start3A_225] : memref<1000000x64xf32, #tpu.memory_space<hbm>> -> memref<1x64xf32, #tpu.memory_space<hbm>>
      %dma_start3A_227 = tpu.memref_squeeze %dma_start3A_226 : memref<1x64xf32, #tpu.memory_space<hbm>> -> memref<64xf32, #tpu.memory_space<hbm>>
      %dma_start3A_228 = arith.constant 0 : i32
      %dma_start3A_229 = tpu.memref_slice %arg6[%add3A_217, %dma_start3A_228] : memref<512x64xf32, #tpu.memory_space<vmem>> -> memref<1x64xf32, #tpu.memory_space<vmem>>
      %dma_start3A_230 = tpu.memref_squeeze %dma_start3A_229 : memref<1x64xf32, #tpu.memory_space<vmem>> -> memref<64xf32, #tpu.memory_space<vmem>>
      %dma_start3A_231 = arith.constant 0 : i32
      %dma_start3A_232 = arith.constant 0 : i32
      %dma_start3A_233 = tpu.memref_slice %arg2[%scan3A, %dma_start3A_231, %dma_start3A_232] : memref<1x1000000x64xf32, #tpu.memory_space<hbm>> -> memref<1x1000000x64xf32, #tpu.memory_space<hbm>>
      %dma_start3A_234 = tpu.memref_squeeze %dma_start3A_233 : memref<1x1000000x64xf32, #tpu.memory_space<hbm>> -> memref<1000000x64xf32, #tpu.memory_space<hbm>>
      %dma_start3A_235 = arith.constant 0 : i32
      %dma_start3A_236 = tpu.memref_slice %dma_start3A_234[%reduce_sum3A_215, %dma_start3A_235] : memref<1000000x64xf32, #tpu.memory_space<hbm>> -> memref<1x64xf32, #tpu.memory_space<hbm>>
      %dma_start3A_237 = tpu.memref_squeeze %dma_start3A_236 : memref<1x64xf32, #tpu.memory_space<hbm>> -> memref<64xf32, #tpu.memory_space<hbm>>
      tpu.enqueue_dma source(%dma_start3A_237 : memref<64xf32, #tpu.memory_space<hbm>>) target(%dma_start3A_230 : memref<64xf32, #tpu.memory_space<vmem>>) target_semaphore(%arg7 : memref<!tpu.dma_semaphore, #tpu.memory_space<semaphore_mem>>)
      %eq3A_238 = arith.constant 7 : i32
      %eq3A_239 = vector.broadcast %eq3A_238 : i32 to vector<16xi32>
      %eq3A_240 = arith.cmpi eq, %iota3A, %eq3A_239 : vector<16xi32>
      %jit3A_241 = arith.constant 0 : i32
      %broadcast_in_dim3A_242 = vector.broadcast %jit3A_241 : i32 to vector<16xi32>
      %select_n3A_243 = arith.select %eq3A_240, %get3A_19, %broadcast_in_dim3A_242 : vector<16xi1>, vector<16xi32>
      %reduce_sum3A_244 = arith.constant true
      %reduce_sum3A_245 = vector.broadcast %reduce_sum3A_244 : i1 to vector<16xi1>
      %reduce_sum3A_246 = tpu.scan <sum>, %select_n3A_243 masked %reduce_sum3A_245 : vector<16xi32>, vector<16xi1> -> vector<16xi32>
      %reduce_sum3A_247 = vector.extract %reduce_sum3A_246[15] : i32 from vector<16xi32>
      %add3A_248 = arith.constant 7 : i32
      %add3A_249 = arith.addi %add3A_18, %add3A_248 : i32
      %dma_start3A_250 = arith.constant 0 : i32
      %dma_start3A_251 = tpu.memref_slice %arg6[%add3A_249, %dma_start3A_250] : memref<512x64xf32, #tpu.memory_space<vmem>> -> memref<1x64xf32, #tpu.memory_space<vmem>>
      %dma_start3A_252 = tpu.memref_squeeze %dma_start3A_251 : memref<1x64xf32, #tpu.memory_space<vmem>> -> memref<64xf32, #tpu.memory_space<vmem>>
      %dma_start3A_253 = arith.constant 0 : i32
      %dma_start3A_254 = arith.constant 0 : i32
      %dma_start3A_255 = tpu.memref_slice %arg2[%scan3A, %dma_start3A_253, %dma_start3A_254] : memref<1x1000000x64xf32, #tpu.memory_space<hbm>> -> memref<1x1000000x64xf32, #tpu.memory_space<hbm>>
      %dma_start3A_256 = tpu.memref_squeeze %dma_start3A_255 : memref<1x1000000x64xf32, #tpu.memory_space<hbm>> -> memref<1000000x64xf32, #tpu.memory_space<hbm>>
      %dma_start3A_257 = arith.constant 0 : i32
      %dma_start3A_258 = tpu.memref_slice %dma_start3A_256[%reduce_sum3A_247, %dma_start3A_257] : memref<1000000x64xf32, #tpu.memory_space<hbm>> -> memref<1x64xf32, #tpu.memory_space<hbm>>
      %dma_start3A_259 = tpu.memref_squeeze %dma_start3A_258 : memref<1x64xf32, #tpu.memory_space<hbm>> -> memref<64xf32, #tpu.memory_space<hbm>>
      %dma_start3A_260 = arith.constant 0 : i32
      %dma_start3A_261 = tpu.memref_slice %arg6[%add3A_249, %dma_start3A_260] : memref<512x64xf32, #tpu.memory_space<vmem>> -> memref<1x64xf32, #tpu.memory_space<vmem>>
      %dma_start3A_262 = tpu.memref_squeeze %dma_start3A_261 : memref<1x64xf32, #tpu.memory_space<vmem>> -> memref<64xf32, #tpu.memory_space<vmem>>
      %dma_start3A_263 = arith.constant 0 : i32
      %dma_start3A_264 = arith.constant 0 : i32
      %dma_start3A_265 = tpu.memref_slice %arg2[%scan3A, %dma_start3A_263, %dma_start3A_264] : memref<1x1000000x64xf32, #tpu.memory_space<hbm>> -> memref<1x1000000x64xf32, #tpu.memory_space<hbm>>
      %dma_start3A_266 = tpu.memref_squeeze %dma_start3A_265 : memref<1x1000000x64xf32, #tpu.memory_space<hbm>> -> memref<1000000x64xf32, #tpu.memory_space<hbm>>
      %dma_start3A_267 = arith.constant 0 : i32
      %dma_start3A_268 = tpu.memref_slice %dma_start3A_266[%reduce_sum3A_247, %dma_start3A_267] : memref<1000000x64xf32, #tpu.memory_space<hbm>> -> memref<1x64xf32, #tpu.memory_space<hbm>>
      %dma_start3A_269 = tpu.memref_squeeze %dma_start3A_268 : memref<1x64xf32, #tpu.memory_space<hbm>> -> memref<64xf32, #tpu.memory_space<hbm>>
      tpu.enqueue_dma source(%dma_start3A_269 : memref<64xf32, #tpu.memory_space<hbm>>) target(%dma_start3A_262 : memref<64xf32, #tpu.memory_space<vmem>>) target_semaphore(%arg7 : memref<!tpu.dma_semaphore, #tpu.memory_space<semaphore_mem>>)
      %eq3A_270 = arith.constant 8 : i32
      %eq3A_271 = vector.broadcast %eq3A_270 : i32 to vector<16xi32>
      %eq3A_272 = arith.cmpi eq, %iota3A, %eq3A_271 : vector<16xi32>
      %jit3A_273 = arith.constant 0 : i32
      %broadcast_in_dim3A_274 = vector.broadcast %jit3A_273 : i32 to vector<16xi32>
      %select_n3A_275 = arith.select %eq3A_272, %get3A_19, %broadcast_in_dim3A_274 : vector<16xi1>, vector<16xi32>
      %reduce_sum3A_276 = arith.constant true
      %reduce_sum3A_277 = vector.broadcast %reduce_sum3A_276 : i1 to vector<16xi1>
      %reduce_sum3A_278 = tpu.scan <sum>, %select_n3A_275 masked %reduce_sum3A_277 : vector<16xi32>, vector<16xi1> -> vector<16xi32>
      %reduce_sum3A_279 = vector.extract %reduce_sum3A_278[15] : i32 from vector<16xi32>
      %add3A_280 = arith.constant 8 : i32
      %add3A_281 = arith.addi %add3A_18, %add3A_280 : i32
      %dma_start3A_282 = arith.constant 0 : i32
      %dma_start3A_283 = tpu.memref_slice %arg6[%add3A_281, %dma_start3A_282] : memref<512x64xf32, #tpu.memory_space<vmem>> -> memref<1x64xf32, #tpu.memory_space<vmem>>
      %dma_start3A_284 = tpu.memref_squeeze %dma_start3A_283 : memref<1x64xf32, #tpu.memory_space<vmem>> -> memref<64xf32, #tpu.memory_space<vmem>>
      %dma_start3A_285 = arith.constant 0 : i32
      %dma_start3A_286 = arith.constant 0 : i32
      %dma_start3A_287 = tpu.memref_slice %arg2[%scan3A, %dma_start3A_285, %dma_start3A_286] : memref<1x1000000x64xf32, #tpu.memory_space<hbm>> -> memref<1x1000000x64xf32, #tpu.memory_space<hbm>>
      %dma_start3A_288 = tpu.memref_squeeze %dma_start3A_287 : memref<1x1000000x64xf32, #tpu.memory_space<hbm>> -> memref<1000000x64xf32, #tpu.memory_space<hbm>>
      %dma_start3A_289 = arith.constant 0 : i32
      %dma_start3A_290 = tpu.memref_slice %dma_start3A_288[%reduce_sum3A_279, %dma_start3A_289] : memref<1000000x64xf32, #tpu.memory_space<hbm>> -> memref<1x64xf32, #tpu.memory_space<hbm>>
      %dma_start3A_291 = tpu.memref_squeeze %dma_start3A_290 : memref<1x64xf32, #tpu.memory_space<hbm>> -> memref<64xf32, #tpu.memory_space<hbm>>
      %dma_start3A_292 = arith.constant 0 : i32
      %dma_start3A_293 = tpu.memref_slice %arg6[%add3A_281, %dma_start3A_292] : memref<512x64xf32, #tpu.memory_space<vmem>> -> memref<1x64xf32, #tpu.memory_space<vmem>>
      %dma_start3A_294 = tpu.memref_squeeze %dma_start3A_293 : memref<1x64xf32, #tpu.memory_space<vmem>> -> memref<64xf32, #tpu.memory_space<vmem>>
      %dma_start3A_295 = arith.constant 0 : i32
      %dma_start3A_296 = arith.constant 0 : i32
      %dma_start3A_297 = tpu.memref_slice %arg2[%scan3A, %dma_start3A_295, %dma_start3A_296] : memref<1x1000000x64xf32, #tpu.memory_space<hbm>> -> memref<1x1000000x64xf32, #tpu.memory_space<hbm>>
      %dma_start3A_298 = tpu.memref_squeeze %dma_start3A_297 : memref<1x1000000x64xf32, #tpu.memory_space<hbm>> -> memref<1000000x64xf32, #tpu.memory_space<hbm>>
      %dma_start3A_299 = arith.constant 0 : i32
      %dma_start3A_300 = tpu.memref_slice %dma_start3A_298[%reduce_sum3A_279, %dma_start3A_299] : memref<1000000x64xf32, #tpu.memory_space<hbm>> -> memref<1x64xf32, #tpu.memory_space<hbm>>
      %dma_start3A_301 = tpu.memref_squeeze %dma_start3A_300 : memref<1x64xf32, #tpu.memory_space<hbm>> -> memref<64xf32, #tpu.memory_space<hbm>>
      tpu.enqueue_dma source(%dma_start3A_301 : memref<64xf32, #tpu.memory_space<hbm>>) target(%dma_start3A_294 : memref<64xf32, #tpu.memory_space<vmem>>) target_semaphore(%arg7 : memref<!tpu.dma_semaphore, #tpu.memory_space<semaphore_mem>>)
      %eq3A_302 = arith.constant 9 : i32
      %eq3A_303 = vector.broadcast %eq3A_302 : i32 to vector<16xi32>
      %eq3A_304 = arith.cmpi eq, %iota3A, %eq3A_303 : vector<16xi32>
      %jit3A_305 = arith.constant 0 : i32
      %broadcast_in_dim3A_306 = vector.broadcast %jit3A_305 : i32 to vector<16xi32>
      %select_n3A_307 = arith.select %eq3A_304, %get3A_19, %broadcast_in_dim3A_306 : vector<16xi1>, vector<16xi32>
      %reduce_sum3A_308 = arith.constant true
      %reduce_sum3A_309 = vector.broadcast %reduce_sum3A_308 : i1 to vector<16xi1>
      %reduce_sum3A_310 = tpu.scan <sum>, %select_n3A_307 masked %reduce_sum3A_309 : vector<16xi32>, vector<16xi1> -> vector<16xi32>
      %reduce_sum3A_311 = vector.extract %reduce_sum3A_310[15] : i32 from vector<16xi32>
      %add3A_312 = arith.constant 9 : i32
      %add3A_313 = arith.addi %add3A_18, %add3A_312 : i32
      %dma_start3A_314 = arith.constant 0 : i32
      %dma_start3A_315 = tpu.memref_slice %arg6[%add3A_313, %dma_start3A_314] : memref<512x64xf32, #tpu.memory_space<vmem>> -> memref<1x64xf32, #tpu.memory_space<vmem>>
      %dma_start3A_316 = tpu.memref_squeeze %dma_start3A_315 : memref<1x64xf32, #tpu.memory_space<vmem>> -> memref<64xf32, #tpu.memory_space<vmem>>
      %dma_start3A_317 = arith.constant 0 : i32
      %dma_start3A_318 = arith.constant 0 : i32
      %dma_start3A_319 = tpu.memref_slice %arg2[%scan3A, %dma_start3A_317, %dma_start3A_318] : memref<1x1000000x64xf32, #tpu.memory_space<hbm>> -> memref<1x1000000x64xf32, #tpu.memory_space<hbm>>
      %dma_start3A_320 = tpu.memref_squeeze %dma_start3A_319 : memref<1x1000000x64xf32, #tpu.memory_space<hbm>> -> memref<1000000x64xf32, #tpu.memory_space<hbm>>
      %dma_start3A_321 = arith.constant 0 : i32
      %dma_start3A_322 = tpu.memref_slice %dma_start3A_320[%reduce_sum3A_311, %dma_start3A_321] : memref<1000000x64xf32, #tpu.memory_space<hbm>> -> memref<1x64xf32, #tpu.memory_space<hbm>>
      %dma_start3A_323 = tpu.memref_squeeze %dma_start3A_322 : memref<1x64xf32, #tpu.memory_space<hbm>> -> memref<64xf32, #tpu.memory_space<hbm>>
      %dma_start3A_324 = arith.constant 0 : i32
      %dma_start3A_325 = tpu.memref_slice %arg6[%add3A_313, %dma_start3A_324] : memref<512x64xf32, #tpu.memory_space<vmem>> -> memref<1x64xf32, #tpu.memory_space<vmem>>
      %dma_start3A_326 = tpu.memref_squeeze %dma_start3A_325 : memref<1x64xf32, #tpu.memory_space<vmem>> -> memref<64xf32, #tpu.memory_space<vmem>>
      %dma_start3A_327 = arith.constant 0 : i32
      %dma_start3A_328 = arith.constant 0 : i32
      %dma_start3A_329 = tpu.memref_slice %arg2[%scan3A, %dma_start3A_327, %dma_start3A_328] : memref<1x1000000x64xf32, #tpu.memory_space<hbm>> -> memref<1x1000000x64xf32, #tpu.memory_space<hbm>>
      %dma_start3A_330 = tpu.memref_squeeze %dma_start3A_329 : memref<1x1000000x64xf32, #tpu.memory_space<hbm>> -> memref<1000000x64xf32, #tpu.memory_space<hbm>>
      %dma_start3A_331 = arith.constant 0 : i32
      %dma_start3A_332 = tpu.memref_slice %dma_start3A_330[%reduce_sum3A_311, %dma_start3A_331] : memref<1000000x64xf32, #tpu.memory_space<hbm>> -> memref<1x64xf32, #tpu.memory_space<hbm>>
      %dma_start3A_333 = tpu.memref_squeeze %dma_start3A_332 : memref<1x64xf32, #tpu.memory_space<hbm>> -> memref<64xf32, #tpu.memory_space<hbm>>
      tpu.enqueue_dma source(%dma_start3A_333 : memref<64xf32, #tpu.memory_space<hbm>>) target(%dma_start3A_326 : memref<64xf32, #tpu.memory_space<vmem>>) target_semaphore(%arg7 : memref<!tpu.dma_semaphore, #tpu.memory_space<semaphore_mem>>)
      %eq3A_334 = arith.constant 10 : i32
      %eq3A_335 = vector.broadcast %eq3A_334 : i32 to vector<16xi32>
      %eq3A_336 = arith.cmpi eq, %iota3A, %eq3A_335 : vector<16xi32>
      %jit3A_337 = arith.constant 0 : i32
      %broadcast_in_dim3A_338 = vector.broadcast %jit3A_337 : i32 to vector<16xi32>
      %select_n3A_339 = arith.select %eq3A_336, %get3A_19, %broadcast_in_dim3A_338 : vector<16xi1>, vector<16xi32>
      %reduce_sum3A_340 = arith.constant true
      %reduce_sum3A_341 = vector.broadcast %reduce_sum3A_340 : i1 to vector<16xi1>
      %reduce_sum3A_342 = tpu.scan <sum>, %select_n3A_339 masked %reduce_sum3A_341 : vector<16xi32>, vector<16xi1> -> vector<16xi32>
      %reduce_sum3A_343 = vector.extract %reduce_sum3A_342[15] : i32 from vector<16xi32>
      %add3A_344 = arith.constant 10 : i32
      %add3A_345 = arith.addi %add3A_18, %add3A_344 : i32
      %dma_start3A_346 = arith.constant 0 : i32
      %dma_start3A_347 = tpu.memref_slice %arg6[%add3A_345, %dma_start3A_346] : memref<512x64xf32, #tpu.memory_space<vmem>> -> memref<1x64xf32, #tpu.memory_space<vmem>>
      %dma_start3A_348 = tpu.memref_squeeze %dma_start3A_347 : memref<1x64xf32, #tpu.memory_space<vmem>> -> memref<64xf32, #tpu.memory_space<vmem>>
      %dma_start3A_349 = arith.constant 0 : i32
      %dma_start3A_350 = arith.constant 0 : i32
      %dma_start3A_351 = tpu.memref_slice %arg2[%scan3A, %dma_start3A_349, %dma_start3A_350] : memref<1x1000000x64xf32, #tpu.memory_space<hbm>> -> memref<1x1000000x64xf32, #tpu.memory_space<hbm>>
      %dma_start3A_352 = tpu.memref_squeeze %dma_start3A_351 : memref<1x1000000x64xf32, #tpu.memory_space<hbm>> -> memref<1000000x64xf32, #tpu.memory_space<hbm>>
      %dma_start3A_353 = arith.constant 0 : i32
      %dma_start3A_354 = tpu.memref_slice %dma_start3A_352[%reduce_sum3A_343, %dma_start3A_353] : memref<1000000x64xf32, #tpu.memory_space<hbm>> -> memref<1x64xf32, #tpu.memory_space<hbm>>
      %dma_start3A_355 = tpu.memref_squeeze %dma_start3A_354 : memref<1x64xf32, #tpu.memory_space<hbm>> -> memref<64xf32, #tpu.memory_space<hbm>>
      %dma_start3A_356 = arith.constant 0 : i32
      %dma_start3A_357 = tpu.memref_slice %arg6[%add3A_345, %dma_start3A_356] : memref<512x64xf32, #tpu.memory_space<vmem>> -> memref<1x64xf32, #tpu.memory_space<vmem>>
      %dma_start3A_358 = tpu.memref_squeeze %dma_start3A_357 : memref<1x64xf32, #tpu.memory_space<vmem>> -> memref<64xf32, #tpu.memory_space<vmem>>
      %dma_start3A_359 = arith.constant 0 : i32
      %dma_start3A_360 = arith.constant 0 : i32
      %dma_start3A_361 = tpu.memref_slice %arg2[%scan3A, %dma_start3A_359, %dma_start3A_360] : memref<1x1000000x64xf32, #tpu.memory_space<hbm>> -> memref<1x1000000x64xf32, #tpu.memory_space<hbm>>
      %dma_start3A_362 = tpu.memref_squeeze %dma_start3A_361 : memref<1x1000000x64xf32, #tpu.memory_space<hbm>> -> memref<1000000x64xf32, #tpu.memory_space<hbm>>
      %dma_start3A_363 = arith.constant 0 : i32
      %dma_start3A_364 = tpu.memref_slice %dma_start3A_362[%reduce_sum3A_343, %dma_start3A_363] : memref<1000000x64xf32, #tpu.memory_space<hbm>> -> memref<1x64xf32, #tpu.memory_space<hbm>>
      %dma_start3A_365 = tpu.memref_squeeze %dma_start3A_364 : memref<1x64xf32, #tpu.memory_space<hbm>> -> memref<64xf32, #tpu.memory_space<hbm>>
      tpu.enqueue_dma source(%dma_start3A_365 : memref<64xf32, #tpu.memory_space<hbm>>) target(%dma_start3A_358 : memref<64xf32, #tpu.memory_space<vmem>>) target_semaphore(%arg7 : memref<!tpu.dma_semaphore, #tpu.memory_space<semaphore_mem>>)
      %eq3A_366 = arith.constant 11 : i32
      %eq3A_367 = vector.broadcast %eq3A_366 : i32 to vector<16xi32>
      %eq3A_368 = arith.cmpi eq, %iota3A, %eq3A_367 : vector<16xi32>
      %jit3A_369 = arith.constant 0 : i32
      %broadcast_in_dim3A_370 = vector.broadcast %jit3A_369 : i32 to vector<16xi32>
      %select_n3A_371 = arith.select %eq3A_368, %get3A_19, %broadcast_in_dim3A_370 : vector<16xi1>, vector<16xi32>
      %reduce_sum3A_372 = arith.constant true
      %reduce_sum3A_373 = vector.broadcast %reduce_sum3A_372 : i1 to vector<16xi1>
      %reduce_sum3A_374 = tpu.scan <sum>, %select_n3A_371 masked %reduce_sum3A_373 : vector<16xi32>, vector<16xi1> -> vector<16xi32>
      %reduce_sum3A_375 = vector.extract %reduce_sum3A_374[15] : i32 from vector<16xi32>
      %add3A_376 = arith.constant 11 : i32
      %add3A_377 = arith.addi %add3A_18, %add3A_376 : i32
      %dma_start3A_378 = arith.constant 0 : i32
      %dma_start3A_379 = tpu.memref_slice %arg6[%add3A_377, %dma_start3A_378] : memref<512x64xf32, #tpu.memory_space<vmem>> -> memref<1x64xf32, #tpu.memory_space<vmem>>
      %dma_start3A_380 = tpu.memref_squeeze %dma_start3A_379 : memref<1x64xf32, #tpu.memory_space<vmem>> -> memref<64xf32, #tpu.memory_space<vmem>>
      %dma_start3A_381 = arith.constant 0 : i32
      %dma_start3A_382 = arith.constant 0 : i32
      %dma_start3A_383 = tpu.memref_slice %arg2[%scan3A, %dma_start3A_381, %dma_start3A_382] : memref<1x1000000x64xf32, #tpu.memory_space<hbm>> -> memref<1x1000000x64xf32, #tpu.memory_space<hbm>>
      %dma_start3A_384 = tpu.memref_squeeze %dma_start3A_383 : memref<1x1000000x64xf32, #tpu.memory_space<hbm>> -> memref<1000000x64xf32, #tpu.memory_space<hbm>>
      %dma_start3A_385 = arith.constant 0 : i32
      %dma_start3A_386 = tpu.memref_slice %dma_start3A_384[%reduce_sum3A_375, %dma_start3A_385] : memref<1000000x64xf32, #tpu.memory_space<hbm>> -> memref<1x64xf32, #tpu.memory_space<hbm>>
      %dma_start3A_387 = tpu.memref_squeeze %dma_start3A_386 : memref<1x64xf32, #tpu.memory_space<hbm>> -> memref<64xf32, #tpu.memory_space<hbm>>
      %dma_start3A_388 = arith.constant 0 : i32
      %dma_start3A_389 = tpu.memref_slice %arg6[%add3A_377, %dma_start3A_388] : memref<512x64xf32, #tpu.memory_space<vmem>> -> memref<1x64xf32, #tpu.memory_space<vmem>>
      %dma_start3A_390 = tpu.memref_squeeze %dma_start3A_389 : memref<1x64xf32, #tpu.memory_space<vmem>> -> memref<64xf32, #tpu.memory_space<vmem>>
      %dma_start3A_391 = arith.constant 0 : i32
      %dma_start3A_392 = arith.constant 0 : i32
      %dma_start3A_393 = tpu.memref_slice %arg2[%scan3A, %dma_start3A_391, %dma_start3A_392] : memref<1x1000000x64xf32, #tpu.memory_space<hbm>> -> memref<1x1000000x64xf32, #tpu.memory_space<hbm>>
      %dma_start3A_394 = tpu.memref_squeeze %dma_start3A_393 : memref<1x1000000x64xf32, #tpu.memory_space<hbm>> -> memref<1000000x64xf32, #tpu.memory_space<hbm>>
      %dma_start3A_395 = arith.constant 0 : i32
      %dma_start3A_396 = tpu.memref_slice %dma_start3A_394[%reduce_sum3A_375, %dma_start3A_395] : memref<1000000x64xf32, #tpu.memory_space<hbm>> -> memref<1x64xf32, #tpu.memory_space<hbm>>
      %dma_start3A_397 = tpu.memref_squeeze %dma_start3A_396 : memref<1x64xf32, #tpu.memory_space<hbm>> -> memref<64xf32, #tpu.memory_space<hbm>>
      tpu.enqueue_dma source(%dma_start3A_397 : memref<64xf32, #tpu.memory_space<hbm>>) target(%dma_start3A_390 : memref<64xf32, #tpu.memory_space<vmem>>) target_semaphore(%arg7 : memref<!tpu.dma_semaphore, #tpu.memory_space<semaphore_mem>>)
      %eq3A_398 = arith.constant 12 : i32
      %eq3A_399 = vector.broadcast %eq3A_398 : i32 to vector<16xi32>
      %eq3A_400 = arith.cmpi eq, %iota3A, %eq3A_399 : vector<16xi32>
      %jit3A_401 = arith.constant 0 : i32
      %broadcast_in_dim3A_402 = vector.broadcast %jit3A_401 : i32 to vector<16xi32>
      %select_n3A_403 = arith.select %eq3A_400, %get3A_19, %broadcast_in_dim3A_402 : vector<16xi1>, vector<16xi32>
      %reduce_sum3A_404 = arith.constant true
      %reduce_sum3A_405 = vector.broadcast %reduce_sum3A_404 : i1 to vector<16xi1>
      %reduce_sum3A_406 = tpu.scan <sum>, %select_n3A_403 masked %reduce_sum3A_405 : vector<16xi32>, vector<16xi1> -> vector<16xi32>
      %reduce_sum3A_407 = vector.extract %reduce_sum3A_406[15] : i32 from vector<16xi32>
      %add3A_408 = arith.constant 12 : i32
      %add3A_409 = arith.addi %add3A_18, %add3A_408 : i32
      %dma_start3A_410 = arith.constant 0 : i32
      %dma_start3A_411 = tpu.memref_slice %arg6[%add3A_409, %dma_start3A_410] : memref<512x64xf32, #tpu.memory_space<vmem>> -> memref<1x64xf32, #tpu.memory_space<vmem>>
      %dma_start3A_412 = tpu.memref_squeeze %dma_start3A_411 : memref<1x64xf32, #tpu.memory_space<vmem>> -> memref<64xf32, #tpu.memory_space<vmem>>
      %dma_start3A_413 = arith.constant 0 : i32
      %dma_start3A_414 = arith.constant 0 : i32
      %dma_start3A_415 = tpu.memref_slice %arg2[%scan3A, %dma_start3A_413, %dma_start3A_414] : memref<1x1000000x64xf32, #tpu.memory_space<hbm>> -> memref<1x1000000x64xf32, #tpu.memory_space<hbm>>
      %dma_start3A_416 = tpu.memref_squeeze %dma_start3A_415 : memref<1x1000000x64xf32, #tpu.memory_space<hbm>> -> memref<1000000x64xf32, #tpu.memory_space<hbm>>
      %dma_start3A_417 = arith.constant 0 : i32
      %dma_start3A_418 = tpu.memref_slice %dma_start3A_416[%reduce_sum3A_407, %dma_start3A_417] : memref<1000000x64xf32, #tpu.memory_space<hbm>> -> memref<1x64xf32, #tpu.memory_space<hbm>>
      %dma_start3A_419 = tpu.memref_squeeze %dma_start3A_418 : memref<1x64xf32, #tpu.memory_space<hbm>> -> memref<64xf32, #tpu.memory_space<hbm>>
      %dma_start3A_420 = arith.constant 0 : i32
      %dma_start3A_421 = tpu.memref_slice %arg6[%add3A_409, %dma_start3A_420] : memref<512x64xf32, #tpu.memory_space<vmem>> -> memref<1x64xf32, #tpu.memory_space<vmem>>
      %dma_start3A_422 = tpu.memref_squeeze %dma_start3A_421 : memref<1x64xf32, #tpu.memory_space<vmem>> -> memref<64xf32, #tpu.memory_space<vmem>>
      %dma_start3A_423 = arith.constant 0 : i32
      %dma_start3A_424 = arith.constant 0 : i32
      %dma_start3A_425 = tpu.memref_slice %arg2[%scan3A, %dma_start3A_423, %dma_start3A_424] : memref<1x1000000x64xf32, #tpu.memory_space<hbm>> -> memref<1x1000000x64xf32, #tpu.memory_space<hbm>>
      %dma_start3A_426 = tpu.memref_squeeze %dma_start3A_425 : memref<1x1000000x64xf32, #tpu.memory_space<hbm>> -> memref<1000000x64xf32, #tpu.memory_space<hbm>>
      %dma_start3A_427 = arith.constant 0 : i32
      %dma_start3A_428 = tpu.memref_slice %dma_start3A_426[%reduce_sum3A_407, %dma_start3A_427] : memref<1000000x64xf32, #tpu.memory_space<hbm>> -> memref<1x64xf32, #tpu.memory_space<hbm>>
      %dma_start3A_429 = tpu.memref_squeeze %dma_start3A_428 : memref<1x64xf32, #tpu.memory_space<hbm>> -> memref<64xf32, #tpu.memory_space<hbm>>
      tpu.enqueue_dma source(%dma_start3A_429 : memref<64xf32, #tpu.memory_space<hbm>>) target(%dma_start3A_422 : memref<64xf32, #tpu.memory_space<vmem>>) target_semaphore(%arg7 : memref<!tpu.dma_semaphore, #tpu.memory_space<semaphore_mem>>)
      %eq3A_430 = arith.constant 13 : i32
      %eq3A_431 = vector.broadcast %eq3A_430 : i32 to vector<16xi32>
      %eq3A_432 = arith.cmpi eq, %iota3A, %eq3A_431 : vector<16xi32>
      %jit3A_433 = arith.constant 0 : i32
      %broadcast_in_dim3A_434 = vector.broadcast %jit3A_433 : i32 to vector<16xi32>
      %select_n3A_435 = arith.select %eq3A_432, %get3A_19, %broadcast_in_dim3A_434 : vector<16xi1>, vector<16xi32>
      %reduce_sum3A_436 = arith.constant true
      %reduce_sum3A_437 = vector.broadcast %reduce_sum3A_436 : i1 to vector<16xi1>
      %reduce_sum3A_438 = tpu.scan <sum>, %select_n3A_435 masked %reduce_sum3A_437 : vector<16xi32>, vector<16xi1> -> vector<16xi32>
      %reduce_sum3A_439 = vector.extract %reduce_sum3A_438[15] : i32 from vector<16xi32>
      %add3A_440 = arith.constant 13 : i32
      %add3A_441 = arith.addi %add3A_18, %add3A_440 : i32
      %dma_start3A_442 = arith.constant 0 : i32
      %dma_start3A_443 = tpu.memref_slice %arg6[%add3A_441, %dma_start3A_442] : memref<512x64xf32, #tpu.memory_space<vmem>> -> memref<1x64xf32, #tpu.memory_space<vmem>>
      %dma_start3A_444 = tpu.memref_squeeze %dma_start3A_443 : memref<1x64xf32, #tpu.memory_space<vmem>> -> memref<64xf32, #tpu.memory_space<vmem>>
      %dma_start3A_445 = arith.constant 0 : i32
      %dma_start3A_446 = arith.constant 0 : i32
      %dma_start3A_447 = tpu.memref_slice %arg2[%scan3A, %dma_start3A_445, %dma_start3A_446] : memref<1x1000000x64xf32, #tpu.memory_space<hbm>> -> memref<1x1000000x64xf32, #tpu.memory_space<hbm>>
      %dma_start3A_448 = tpu.memref_squeeze %dma_start3A_447 : memref<1x1000000x64xf32, #tpu.memory_space<hbm>> -> memref<1000000x64xf32, #tpu.memory_space<hbm>>
      %dma_start3A_449 = arith.constant 0 : i32
      %dma_start3A_450 = tpu.memref_slice %dma_start3A_448[%reduce_sum3A_439, %dma_start3A_449] : memref<1000000x64xf32, #tpu.memory_space<hbm>> -> memref<1x64xf32, #tpu.memory_space<hbm>>
      %dma_start3A_451 = tpu.memref_squeeze %dma_start3A_450 : memref<1x64xf32, #tpu.memory_space<hbm>> -> memref<64xf32, #tpu.memory_space<hbm>>
      %dma_start3A_452 = arith.constant 0 : i32
      %dma_start3A_453 = tpu.memref_slice %arg6[%add3A_441, %dma_start3A_452] : memref<512x64xf32, #tpu.memory_space<vmem>> -> memref<1x64xf32, #tpu.memory_space<vmem>>
      %dma_start3A_454 = tpu.memref_squeeze %dma_start3A_453 : memref<1x64xf32, #tpu.memory_space<vmem>> -> memref<64xf32, #tpu.memory_space<vmem>>
      %dma_start3A_455 = arith.constant 0 : i32
      %dma_start3A_456 = arith.constant 0 : i32
      %dma_start3A_457 = tpu.memref_slice %arg2[%scan3A, %dma_start3A_455, %dma_start3A_456] : memref<1x1000000x64xf32, #tpu.memory_space<hbm>> -> memref<1x1000000x64xf32, #tpu.memory_space<hbm>>
      %dma_start3A_458 = tpu.memref_squeeze %dma_start3A_457 : memref<1x1000000x64xf32, #tpu.memory_space<hbm>> -> memref<1000000x64xf32, #tpu.memory_space<hbm>>
      %dma_start3A_459 = arith.constant 0 : i32
      %dma_start3A_460 = tpu.memref_slice %dma_start3A_458[%reduce_sum3A_439, %dma_start3A_459] : memref<1000000x64xf32, #tpu.memory_space<hbm>> -> memref<1x64xf32, #tpu.memory_space<hbm>>
      %dma_start3A_461 = tpu.memref_squeeze %dma_start3A_460 : memref<1x64xf32, #tpu.memory_space<hbm>> -> memref<64xf32, #tpu.memory_space<hbm>>
      tpu.enqueue_dma source(%dma_start3A_461 : memref<64xf32, #tpu.memory_space<hbm>>) target(%dma_start3A_454 : memref<64xf32, #tpu.memory_space<vmem>>) target_semaphore(%arg7 : memref<!tpu.dma_semaphore, #tpu.memory_space<semaphore_mem>>)
      %eq3A_462 = arith.constant 14 : i32
      %eq3A_463 = vector.broadcast %eq3A_462 : i32 to vector<16xi32>
      %eq3A_464 = arith.cmpi eq, %iota3A, %eq3A_463 : vector<16xi32>
      %jit3A_465 = arith.constant 0 : i32
      %broadcast_in_dim3A_466 = vector.broadcast %jit3A_465 : i32 to vector<16xi32>
      %select_n3A_467 = arith.select %eq3A_464, %get3A_19, %broadcast_in_dim3A_466 : vector<16xi1>, vector<16xi32>
      %reduce_sum3A_468 = arith.constant true
      %reduce_sum3A_469 = vector.broadcast %reduce_sum3A_468 : i1 to vector<16xi1>
      %reduce_sum3A_470 = tpu.scan <sum>, %select_n3A_467 masked %reduce_sum3A_469 : vector<16xi32>, vector<16xi1> -> vector<16xi32>
      %reduce_sum3A_471 = vector.extract %reduce_sum3A_470[15] : i32 from vector<16xi32>
      %add3A_472 = arith.constant 14 : i32
      %add3A_473 = arith.addi %add3A_18, %add3A_472 : i32
      %dma_start3A_474 = arith.constant 0 : i32
      %dma_start3A_475 = tpu.memref_slice %arg6[%add3A_473, %dma_start3A_474] : memref<512x64xf32, #tpu.memory_space<vmem>> -> memref<1x64xf32, #tpu.memory_space<vmem>>
      %dma_start3A_476 = tpu.memref_squeeze %dma_start3A_475 : memref<1x64xf32, #tpu.memory_space<vmem>> -> memref<64xf32, #tpu.memory_space<vmem>>
      %dma_start3A_477 = arith.constant 0 : i32
      %dma_start3A_478 = arith.constant 0 : i32
      %dma_start3A_479 = tpu.memref_slice %arg2[%scan3A, %dma_start3A_477, %dma_start3A_478] : memref<1x1000000x64xf32, #tpu.memory_space<hbm>> -> memref<1x1000000x64xf32, #tpu.memory_space<hbm>>
      %dma_start3A_480 = tpu.memref_squeeze %dma_start3A_479 : memref<1x1000000x64xf32, #tpu.memory_space<hbm>> -> memref<1000000x64xf32, #tpu.memory_space<hbm>>
      %dma_start3A_481 = arith.constant 0 : i32
      %dma_start3A_482 = tpu.memref_slice %dma_start3A_480[%reduce_sum3A_471, %dma_start3A_481] : memref<1000000x64xf32, #tpu.memory_space<hbm>> -> memref<1x64xf32, #tpu.memory_space<hbm>>
      %dma_start3A_483 = tpu.memref_squeeze %dma_start3A_482 : memref<1x64xf32, #tpu.memory_space<hbm>> -> memref<64xf32, #tpu.memory_space<hbm>>
      %dma_start3A_484 = arith.constant 0 : i32
      %dma_start3A_485 = tpu.memref_slice %arg6[%add3A_473, %dma_start3A_484] : memref<512x64xf32, #tpu.memory_space<vmem>> -> memref<1x64xf32, #tpu.memory_space<vmem>>
      %dma_start3A_486 = tpu.memref_squeeze %dma_start3A_485 : memref<1x64xf32, #tpu.memory_space<vmem>> -> memref<64xf32, #tpu.memory_space<vmem>>
      %dma_start3A_487 = arith.constant 0 : i32
      %dma_start3A_488 = arith.constant 0 : i32
      %dma_start3A_489 = tpu.memref_slice %arg2[%scan3A, %dma_start3A_487, %dma_start3A_488] : memref<1x1000000x64xf32, #tpu.memory_space<hbm>> -> memref<1x1000000x64xf32, #tpu.memory_space<hbm>>
      %dma_start3A_490 = tpu.memref_squeeze %dma_start3A_489 : memref<1x1000000x64xf32, #tpu.memory_space<hbm>> -> memref<1000000x64xf32, #tpu.memory_space<hbm>>
      %dma_start3A_491 = arith.constant 0 : i32
      %dma_start3A_492 = tpu.memref_slice %dma_start3A_490[%reduce_sum3A_471, %dma_start3A_491] : memref<1000000x64xf32, #tpu.memory_space<hbm>> -> memref<1x64xf32, #tpu.memory_space<hbm>>
      %dma_start3A_493 = tpu.memref_squeeze %dma_start3A_492 : memref<1x64xf32, #tpu.memory_space<hbm>> -> memref<64xf32, #tpu.memory_space<hbm>>
      tpu.enqueue_dma source(%dma_start3A_493 : memref<64xf32, #tpu.memory_space<hbm>>) target(%dma_start3A_486 : memref<64xf32, #tpu.memory_space<vmem>>) target_semaphore(%arg7 : memref<!tpu.dma_semaphore, #tpu.memory_space<semaphore_mem>>)
      %eq3A_494 = arith.constant 15 : i32
      %eq3A_495 = vector.broadcast %eq3A_494 : i32 to vector<16xi32>
      %eq3A_496 = arith.cmpi eq, %iota3A, %eq3A_495 : vector<16xi32>
      %jit3A_497 = arith.constant 0 : i32
      %broadcast_in_dim3A_498 = vector.broadcast %jit3A_497 : i32 to vector<16xi32>
      %select_n3A_499 = arith.select %eq3A_496, %get3A_19, %broadcast_in_dim3A_498 : vector<16xi1>, vector<16xi32>
      %reduce_sum3A_500 = arith.constant true
      %reduce_sum3A_501 = vector.broadcast %reduce_sum3A_500 : i1 to vector<16xi1>
      %reduce_sum3A_502 = tpu.scan <sum>, %select_n3A_499 masked %reduce_sum3A_501 : vector<16xi32>, vector<16xi1> -> vector<16xi32>
      %reduce_sum3A_503 = vector.extract %reduce_sum3A_502[15] : i32 from vector<16xi32>
      %add3A_504 = arith.constant 15 : i32
      %add3A_505 = arith.addi %add3A_18, %add3A_504 : i32
      %dma_start3A_506 = arith.constant 0 : i32
      %dma_start3A_507 = tpu.memref_slice %arg6[%add3A_505, %dma_start3A_506] : memref<512x64xf32, #tpu.memory_space<vmem>> -> memref<1x64xf32, #tpu.memory_space<vmem>>
      %dma_start3A_508 = tpu.memref_squeeze %dma_start3A_507 : memref<1x64xf32, #tpu.memory_space<vmem>> -> memref<64xf32, #tpu.memory_space<vmem>>
      %dma_start3A_509 = arith.constant 0 : i32
      %dma_start3A_510 = arith.constant 0 : i32
      %dma_start3A_511 = tpu.memref_slice %arg2[%scan3A, %dma_start3A_509, %dma_start3A_510] : memref<1x1000000x64xf32, #tpu.memory_space<hbm>> -> memref<1x1000000x64xf32, #tpu.memory_space<hbm>>
      %dma_start3A_512 = tpu.memref_squeeze %dma_start3A_511 : memref<1x1000000x64xf32, #tpu.memory_space<hbm>> -> memref<1000000x64xf32, #tpu.memory_space<hbm>>
      %dma_start3A_513 = arith.constant 0 : i32
      %dma_start3A_514 = tpu.memref_slice %dma_start3A_512[%reduce_sum3A_503, %dma_start3A_513] : memref<1000000x64xf32, #tpu.memory_space<hbm>> -> memref<1x64xf32, #tpu.memory_space<hbm>>
      %dma_start3A_515 = tpu.memref_squeeze %dma_start3A_514 : memref<1x64xf32, #tpu.memory_space<hbm>> -> memref<64xf32, #tpu.memory_space<hbm>>
      %dma_start3A_516 = arith.constant 0 : i32
      %dma_start3A_517 = tpu.memref_slice %arg6[%add3A_505, %dma_start3A_516] : memref<512x64xf32, #tpu.memory_space<vmem>> -> memref<1x64xf32, #tpu.memory_space<vmem>>
      %dma_start3A_518 = tpu.memref_squeeze %dma_start3A_517 : memref<1x64xf32, #tpu.memory_space<vmem>> -> memref<64xf32, #tpu.memory_space<vmem>>
      %dma_start3A_519 = arith.constant 0 : i32
      %dma_start3A_520 = arith.constant 0 : i32
      %dma_start3A_521 = tpu.memref_slice %arg2[%scan3A, %dma_start3A_519, %dma_start3A_520] : memref<1x1000000x64xf32, #tpu.memory_space<hbm>> -> memref<1x1000000x64xf32, #tpu.memory_space<hbm>>
      %dma_start3A_522 = tpu.memref_squeeze %dma_start3A_521 : memref<1x1000000x64xf32, #tpu.memory_space<hbm>> -> memref<1000000x64xf32, #tpu.memory_space<hbm>>
      %dma_start3A_523 = arith.constant 0 : i32
      %dma_start3A_524 = tpu.memref_slice %dma_start3A_522[%reduce_sum3A_503, %dma_start3A_523] : memref<1000000x64xf32, #tpu.memory_space<hbm>> -> memref<1x64xf32, #tpu.memory_space<hbm>>
      %dma_start3A_525 = tpu.memref_squeeze %dma_start3A_524 : memref<1x64xf32, #tpu.memory_space<hbm>> -> memref<64xf32, #tpu.memory_space<hbm>>
      tpu.enqueue_dma source(%dma_start3A_525 : memref<64xf32, #tpu.memory_space<hbm>>) target(%dma_start3A_518 : memref<64xf32, #tpu.memory_space<vmem>>) target_semaphore(%arg7 : memref<!tpu.dma_semaphore, #tpu.memory_space<semaphore_mem>>)
    }
    %scan3A_7 = arith.constant 32 : i32
    %scan3A_8 = arith.constant 0 : i32
    %scan3A_9 = arith.constant 0 : i32
    %scan3A_10 = arith.constant 512 : i32
    %scan3A_11 = arith.addi %scan3A_9, %scan3A_10 : i32
    %scan3A_12 = arith.constant 1 : i32
    scf.for %scan3A_14 = %scan3A_9 to %scan3A_11 step %scan3A_12  : i32 {
      %mul3A_15 = arith.constant 1 : i32
      %mul3A_16 = arith.muli %scan3A_14, %mul3A_15 : i32
      %add3A_17 = arith.constant 0 : i32
      %add3A_18 = arith.addi %add3A_17, %mul3A_16 : i32
      %dma_wait3A = arith.constant 0 : i32
      %dma_wait3A_19 = arith.constant 0 : i32
      %dma_wait3A_20 = tpu.memref_slice %arg6[%add3A_18, %dma_wait3A_19] : memref<512x64xf32, #tpu.memory_space<vmem>> -> memref<1x64xf32, #tpu.memory_space<vmem>>
      %dma_wait3A_21 = tpu.memref_squeeze %dma_wait3A_20 : memref<1x64xf32, #tpu.memory_space<vmem>> -> memref<64xf32, #tpu.memory_space<vmem>>
      %dma_wait3A_22 = arith.constant 0 : i32
      %dma_wait3A_23 = arith.constant 0 : i32
      %dma_wait3A_24 = tpu.memref_slice %arg2[%scan3A_8, %dma_wait3A_22, %dma_wait3A_23] : memref<1x1000000x64xf32, #tpu.memory_space<hbm>> -> memref<1x1000000x64xf32, #tpu.memory_space<hbm>>
      %dma_wait3A_25 = tpu.memref_squeeze %dma_wait3A_24 : memref<1x1000000x64xf32, #tpu.memory_space<hbm>> -> memref<1000000x64xf32, #tpu.memory_space<hbm>>
      %dma_wait3A_26 = arith.constant 0 : i32
      %dma_wait3A_27 = tpu.memref_slice %dma_wait3A_25[%dma_wait3A, %dma_wait3A_26] : memref<1000000x64xf32, #tpu.memory_space<hbm>> -> memref<1x64xf32, #tpu.memory_space<hbm>>
      %dma_wait3A_28 = tpu.memref_squeeze %dma_wait3A_27 : memref<1x64xf32, #tpu.memory_space<hbm>> -> memref<64xf32, #tpu.memory_space<hbm>>
      %dma_wait3A_29 = arith.constant 0 : i32
      %dma_wait3A_30 = tpu.memref_slice %arg6[%add3A_18, %dma_wait3A_29] : memref<512x64xf32, #tpu.memory_space<vmem>> -> memref<1x64xf32, #tpu.memory_space<vmem>>
      %dma_wait3A_31 = tpu.memref_squeeze %dma_wait3A_30 : memref<1x64xf32, #tpu.memory_space<vmem>> -> memref<64xf32, #tpu.memory_space<vmem>>
      %dma_wait3A_32 = arith.constant 0 : i32
      %dma_wait3A_33 = arith.constant 0 : i32
      %dma_wait3A_34 = tpu.memref_slice %arg2[%scan3A_8, %dma_wait3A_32, %dma_wait3A_33] : memref<1x1000000x64xf32, #tpu.memory_space<hbm>> -> memref<1x1000000x64xf32, #tpu.memory_space<hbm>>
      %dma_wait3A_35 = tpu.memref_squeeze %dma_wait3A_34 : memref<1x1000000x64xf32, #tpu.memory_space<hbm>> -> memref<1000000x64xf32, #tpu.memory_space<hbm>>
      %dma_wait3A_36 = arith.constant 0 : i32
      %dma_wait3A_37 = tpu.memref_slice %dma_wait3A_35[%dma_wait3A, %dma_wait3A_36] : memref<1000000x64xf32, #tpu.memory_space<hbm>> -> memref<1x64xf32, #tpu.memory_space<hbm>>
      %dma_wait3A_38 = tpu.memref_squeeze %dma_wait3A_37 : memref<1x64xf32, #tpu.memory_space<hbm>> -> memref<64xf32, #tpu.memory_space<hbm>>
      tpu.wait_dma2 semaphore(%arg7 : memref<!tpu.dma_semaphore, #tpu.memory_space<semaphore_mem>>) src(%dma_wait3A_38 : memref<64xf32, #tpu.memory_space<hbm>>) dst(%dma_wait3A_31 : memref<64xf32, #tpu.memory_space<vmem>>)
    }
    %scan3A_13 = arith.constant 512 : i32
    "tpu.region"() ({
      %run_scoped3A = tpu.sem_alloc : memref<!tpu.dma_semaphore, #tpu.memory_space<semaphore_mem>>
      %dma_start3A = arith.constant 0 : i32
      %dma_start3A_14 = tpu.memref_slice %arg4[%mul3A_2, %dma_start3A] : memref<16384x64xf32, #tpu.memory_space<hbm>> -> memref<512x64xf32, #tpu.memory_space<hbm>>
      %dma_start3A_15 = arith.constant 0 : i32
      %dma_start3A_16 = tpu.memref_slice %arg4[%mul3A_2, %dma_start3A_15] : memref<16384x64xf32, #tpu.memory_space<hbm>> -> memref<512x64xf32, #tpu.memory_space<hbm>>
      tpu.enqueue_dma source(%arg6 : memref<512x64xf32, #tpu.memory_space<vmem>>) target(%dma_start3A_16 : memref<512x64xf32, #tpu.memory_space<hbm>>) target_semaphore(%run_scoped3A : memref<!tpu.dma_semaphore, #tpu.memory_space<semaphore_mem>>)
      %dma_wait3A = arith.constant 0 : i32
      %dma_wait3A_17 = tpu.memref_slice %arg4[%mul3A_2, %dma_wait3A] : memref<16384x64xf32, #tpu.memory_space<hbm>> -> memref<512x64xf32, #tpu.memory_space<hbm>>
      %dma_wait3A_18 = arith.constant 0 : i32
      %dma_wait3A_19 = tpu.memref_slice %arg4[%mul3A_2, %dma_wait3A_18] : memref<16384x64xf32, #tpu.memory_space<hbm>> -> memref<512x64xf32, #tpu.memory_space<hbm>>
      tpu.wait_dma2 semaphore(%run_scoped3A : memref<!tpu.dma_semaphore, #tpu.memory_space<semaphore_mem>>) src(%arg6 : memref<512x64xf32, #tpu.memory_space<vmem>>) dst(%dma_wait3A_19 : memref<512x64xf32, #tpu.memory_space<hbm>>)
      tpu.yield
    }) : () -> ()
    return
  }
}

module attributes {stable_mosaic.version = 14 : i64} {
  func.func @_mlp_body(%arg0: i32, %arg1: memref<2048x64xf32, #tpu.memory_space<vmem>>, %arg2: memref<2048x1xf32, #tpu.memory_space<vmem>>, %arg3: memref<128x64xf32, #tpu.memory_space<vmem>>, %arg4: memref<64x128xf32, #tpu.memory_space<vmem>>, %arg5: memref<1x128xf32, #tpu.memory_space<vmem>>, %arg6: memref<128x64xf32, #tpu.memory_space<vmem>>, %arg7: memref<1x64xf32, #tpu.memory_space<vmem>>, %arg8: memref<64x128xf32, #tpu.memory_space<vmem>>, %arg9: memref<1x128xf32, #tpu.memory_space<vmem>>, %arg10: memref<2048x128xf32, #tpu.memory_space<vmem>>) attributes {dimension_semantics = [#tpu.dimension_semantics<arbitrary>], iteration_bounds = array<i64: 8>, scalar_prefetch = 0 : i64, scratch_operands = 0 : i64, tpu.core_type = #tpu.core_type<tc>, window_params = [{transform_indices = @transform_0, window_bounds = array<i64: 2048, 64>}, {transform_indices = @transform_1, window_bounds = array<i64: 2048, 1>}, {pipeline_mode = #tpu.pipeline_mode<synchronous>, transform_indices = @transform_2, window_bounds = array<i64: 128, 64>}, {pipeline_mode = #tpu.pipeline_mode<synchronous>, transform_indices = @transform_3, window_bounds = array<i64: 64, 128>}, {pipeline_mode = #tpu.pipeline_mode<synchronous>, transform_indices = @transform_4, window_bounds = array<i64: 1, 128>}, {pipeline_mode = #tpu.pipeline_mode<synchronous>, transform_indices = @transform_5, window_bounds = array<i64: 128, 64>}, {pipeline_mode = #tpu.pipeline_mode<synchronous>, transform_indices = @transform_6, window_bounds = array<i64: 1, 64>}, {pipeline_mode = #tpu.pipeline_mode<synchronous>, transform_indices = @transform_7, window_bounds = array<i64: 64, 128>}, {pipeline_mode = #tpu.pipeline_mode<synchronous>, transform_indices = @transform_8, window_bounds = array<i64: 1, 128>}, {transform_indices = @transform_9, window_bounds = array<i64: 2048, 128>}]} {
    %get3A = arith.constant 0 : index
    %get3A_0 = arith.constant 0 : index
    %get3A_1 = vector.load %arg1[%get3A, %get3A_0] : memref<2048x64xf32, #tpu.memory_space<vmem>>, vector<2048x64xf32>
    %iota3A = tpu.iota {dimensions = array<i32: 1>} : vector<2048x128xi32>
    %convert_element_type3A = arith.sitofp %iota3A : vector<2048x128xi32> to vector<2048x128xf32>
    %get3A_2 = arith.constant 0 : index
    %get3A_3 = arith.constant 0 : index
    %get3A_4 = vector.load %arg2[%get3A_2, %get3A_3] : memref<2048x1xf32, #tpu.memory_space<vmem>>, vector<2048x1xf32>
    %eq3A = vector.broadcast %get3A_4 : vector<2048x1xf32> to vector<2048x128xf32>
    %eq3A_5 = arith.cmpf oeq, %convert_element_type3A, %eq3A : vector<2048x128xf32>
    %jit3A = arith.constant 1.000000e+00 : f32
    %jit3A_6 = arith.constant 0.000000e+00 : f32
    %broadcast_in_dim3A = vector.broadcast %jit3A : f32 to vector<2048x128xf32>
    %broadcast_in_dim3A_7 = vector.broadcast %jit3A_6 : f32 to vector<2048x128xf32>
    %select_n3A = arith.select %eq3A_5, %broadcast_in_dim3A, %broadcast_in_dim3A_7 : vector<2048x128xi1>, vector<2048x128xf32>
    %get3A_8 = arith.constant 0 : index
    %get3A_9 = arith.constant 0 : index
    %get3A_10 = vector.load %arg3[%get3A_8, %get3A_9] : memref<128x64xf32, #tpu.memory_space<vmem>>, vector<128x64xf32>
    %dot_general3A = arith.constant dense<0.000000e+00> : vector<2048x64xf32>
    %dot_general3A_11 = tpu.matmul %select_n3A, %get3A_10, %dot_general3A {dimension_numbers = #tpu.dot_dimension_numbers<[1], [0], [0], [1], [0, 0, 1, 1], [], []>, transpose_lhs_hint = false} : vector<2048x128xf32>, vector<128x64xf32>, vector<2048x64xf32> -> vector<2048x64xf32>
    %add3A = arith.addf %get3A_1, %dot_general3A_11 : vector<2048x64xf32>
    %get3A_12 = arith.constant 0 : index
    %get3A_13 = arith.constant 0 : index
    %get3A_14 = vector.load %arg4[%get3A_12, %get3A_13] : memref<64x128xf32, #tpu.memory_space<vmem>>, vector<64x128xf32>
    %dot_general3A_15 = arith.constant dense<0.000000e+00> : vector<2048x128xf32>
    %dot_general3A_16 = tpu.matmul %add3A, %get3A_14, %dot_general3A_15 {dimension_numbers = #tpu.dot_dimension_numbers<[1], [0], [0], [1], [0, 0, 1, 1], [], []>, transpose_lhs_hint = false} : vector<2048x64xf32>, vector<64x128xf32>, vector<2048x128xf32> -> vector<2048x128xf32>
    %get3A_17 = arith.constant 0 : index
    %get3A_18 = arith.constant 0 : index
    %get3A_19 = vector.load %arg5[%get3A_17, %get3A_18] : memref<1x128xf32, #tpu.memory_space<vmem>>, vector<1x128xf32>
    %add3A_20 = vector.broadcast %get3A_19 : vector<1x128xf32> to vector<2048x128xf32>
    %add3A_21 = arith.addf %dot_general3A_16, %add3A_20 : vector<2048x128xf32>
    %max3A = arith.constant 0.000000e+00 : f32
    %max3A_22 = vector.broadcast %max3A : f32 to vector<2048x128xf32>
    %max3A_23 = arith.maximumf %add3A_21, %max3A_22 : vector<2048x128xf32>
    %get3A_24 = arith.constant 0 : index
    %get3A_25 = arith.constant 0 : index
    %get3A_26 = vector.load %arg6[%get3A_24, %get3A_25] : memref<128x64xf32, #tpu.memory_space<vmem>>, vector<128x64xf32>
    %dot_general3A_27 = arith.constant dense<0.000000e+00> : vector<2048x64xf32>
    %dot_general3A_28 = tpu.matmul %max3A_23, %get3A_26, %dot_general3A_27 {dimension_numbers = #tpu.dot_dimension_numbers<[1], [0], [0], [1], [0, 0, 1, 1], [], []>, transpose_lhs_hint = false} : vector<2048x128xf32>, vector<128x64xf32>, vector<2048x64xf32> -> vector<2048x64xf32>
    %get3A_29 = arith.constant 0 : index
    %get3A_30 = arith.constant 0 : index
    %get3A_31 = vector.load %arg7[%get3A_29, %get3A_30] : memref<1x64xf32, #tpu.memory_space<vmem>>, vector<1x64xf32>
    %add3A_32 = vector.broadcast %get3A_31 : vector<1x64xf32> to vector<2048x64xf32>
    %add3A_33 = arith.addf %dot_general3A_28, %add3A_32 : vector<2048x64xf32>
    %max3A_34 = arith.constant 0.000000e+00 : f32
    %max3A_35 = vector.broadcast %max3A_34 : f32 to vector<2048x64xf32>
    %max3A_36 = arith.maximumf %add3A_33, %max3A_35 : vector<2048x64xf32>
    %get3A_37 = arith.constant 0 : index
    %get3A_38 = arith.constant 0 : index
    %get3A_39 = vector.load %arg8[%get3A_37, %get3A_38] : memref<64x128xf32, #tpu.memory_space<vmem>>, vector<64x128xf32>
    %dot_general3A_40 = arith.constant dense<0.000000e+00> : vector<2048x128xf32>
    %dot_general3A_41 = tpu.matmul %max3A_36, %get3A_39, %dot_general3A_40 {dimension_numbers = #tpu.dot_dimension_numbers<[1], [0], [0], [1], [0, 0, 1, 1], [], []>, transpose_lhs_hint = false} : vector<2048x64xf32>, vector<64x128xf32>, vector<2048x128xf32> -> vector<2048x128xf32>
    %get3A_42 = arith.constant 0 : index
    %get3A_43 = arith.constant 0 : index
    %get3A_44 = vector.load %arg9[%get3A_42, %get3A_43] : memref<1x128xf32, #tpu.memory_space<vmem>>, vector<1x128xf32>
    %add3A_45 = vector.broadcast %get3A_44 : vector<1x128xf32> to vector<2048x128xf32>
    %add3A_46 = arith.addf %dot_general3A_41, %add3A_45 : vector<2048x128xf32>
    %reduce_max3A = arith.constant dense<0xFF800000> : vector<2048xf32>
    %reduce_max3A_47 = vector.multi_reduction <maximumf>, %add3A_46, %reduce_max3A [1] : vector<2048x128xf32> to vector<2048xf32>
    %broadcast_in_dim3A_48 = vector.shape_cast %reduce_max3A_47 : vector<2048xf32> to vector<2048x1xf32>
    %sub3A = vector.broadcast %broadcast_in_dim3A_48 : vector<2048x1xf32> to vector<2048x128xf32>
    %sub3A_49 = arith.subf %add3A_46, %sub3A : vector<2048x128xf32>
    %exp3A = math.exp %sub3A_49 : vector<2048x128xf32>
    %reduce_sum3A = arith.constant dense<0.000000e+00> : vector<2048xf32>
    %reduce_sum3A_50 = vector.multi_reduction <add>, %exp3A, %reduce_sum3A [1] : vector<2048x128xf32> to vector<2048xf32>
    %broadcast_in_dim3A_51 = vector.shape_cast %reduce_sum3A_50 : vector<2048xf32> to vector<2048x1xf32>
    %div3A = vector.broadcast %broadcast_in_dim3A_51 : vector<2048x1xf32> to vector<2048x128xf32>
    %div3A_52 = arith.divf %exp3A, %div3A : vector<2048x128xf32>
    %swap3A = arith.constant 0 : index
    %swap3A_53 = arith.constant 0 : index
    %swap3A_54 = vector.load %arg10[%swap3A, %swap3A_53] : memref<2048x128xf32, #tpu.memory_space<vmem>>, vector<2048x128xf32>
    tpu.vector_store %arg10[%swap3A, %swap3A_53], %div3A_52 {strides = array<i32>} : memref<2048x128xf32, #tpu.memory_space<vmem>>, vector<2048x128xf32>,
    return
  }
  func.func @transform_0(%arg0: i32) -> (i32, i32) {
    %c0_i32 = arith.constant 0 : i32
    %c0_i32_0 = arith.constant 0 : i32
    return %arg0, %c0_i32 : i32, i32
  }
  func.func @transform_1(%arg0: i32) -> (i32, i32) {
    %c0_i32 = arith.constant 0 : i32
    %c0_i32_0 = arith.constant 0 : i32
    return %arg0, %c0_i32 : i32, i32
  }
  func.func @transform_2(%arg0: i32) -> (i32, i32) {
    %c0_i32 = arith.constant 0 : i32
    %c0_i32_0 = arith.constant 0 : i32
    %c0_i32_1 = arith.constant 0 : i32
    return %c0_i32, %c0_i32_0 : i32, i32
  }
  func.func @transform_3(%arg0: i32) -> (i32, i32) {
    %c0_i32 = arith.constant 0 : i32
    %c0_i32_0 = arith.constant 0 : i32
    %c0_i32_1 = arith.constant 0 : i32
    return %c0_i32, %c0_i32_0 : i32, i32
  }
  func.func @transform_4(%arg0: i32) -> (i32, i32) {
    %c0_i32 = arith.constant 0 : i32
    %c0_i32_0 = arith.constant 0 : i32
    %c0_i32_1 = arith.constant 0 : i32
    return %c0_i32, %c0_i32_0 : i32, i32
  }
  func.func @transform_5(%arg0: i32) -> (i32, i32) {
    %c0_i32 = arith.constant 0 : i32
    %c0_i32_0 = arith.constant 0 : i32
    %c0_i32_1 = arith.constant 0 : i32
    return %c0_i32, %c0_i32_0 : i32, i32
  }
  func.func @transform_6(%arg0: i32) -> (i32, i32) {
    %c0_i32 = arith.constant 0 : i32
    %c0_i32_0 = arith.constant 0 : i32
    %c0_i32_1 = arith.constant 0 : i32
    return %c0_i32, %c0_i32_0 : i32, i32
  }
  func.func @transform_7(%arg0: i32) -> (i32, i32) {
    %c0_i32 = arith.constant 0 : i32
    %c0_i32_0 = arith.constant 0 : i32
    %c0_i32_1 = arith.constant 0 : i32
    return %c0_i32, %c0_i32_0 : i32, i32
  }
  func.func @transform_8(%arg0: i32) -> (i32, i32) {
    %c0_i32 = arith.constant 0 : i32
    %c0_i32_0 = arith.constant 0 : i32
    %c0_i32_1 = arith.constant 0 : i32
    return %c0_i32, %c0_i32_0 : i32, i32
  }
  func.func @transform_9(%arg0: i32) -> (i32, i32) {
    %c0_i32 = arith.constant 0 : i32
    %c0_i32_0 = arith.constant 0 : i32
    return %arg0, %c0_i32 : i32, i32
  }
}

</mosaic_0001>

<sc_bundles>
// kernel: kernel.4.cloned.1.call-start
scs
__scs_entry_jumppad:
0x0: {  	(pc) =	sbr.rel $0x88, $3  }
0x1: {  	(tag) =	ssettag $0x0;
	lr =	simm.s32 $0x1  }
0x2: {  	[smem:$0x3F97] =	sst lr;
	_ =	strace $0xD0000000  }
0x3: {  	_ = 	snop  }
0x4: {  	_ = 	snop  }
0x5: {  	_ = 	snop  }
0x6: {  	_ = 	snop  }
0x7: {  	_ = 	snop  }
__scs_overlays_trampoline_lowered:
0x8: {  	[smem:$0x3FA6] =	sst s0  }
0x9: {  	[smem:$0x3FA7] =	sst s1  }
0xa: {  	[smem:$0x3FA8] =	sst s2  }
0xb: {  	[smem:$0x3FA9] =	sst s3  }
0xc: {  	[smem:$0x3FAA] =	sst s4  }
0xd: {  	[smem:$0x3FAB] =	sst s5  }
0xe: {  	[smem:$0x3FAC] =	sst s6  }
0xf: {  	[smem:$0x3FAD] =	sst s7  }
0x10: {  	[smem:$0x3FAE] =	sst s8  }
0x11: {  	[smem:$0x3FAF] =	sst s9;
	s0 =	simm.s32 @!p0 $0x0  }
0x12: {  	s1 =	sld [smem:$0x3F95];
	s0 =	simm.s32 @p0 $0x1  }
0x13: {  	[smem:$0x3FB0] =	sst s0;
	s0 =	simm.s32 @!p1 $0x0  }
0x14: {  	s2 =	sld [smem:$0x3F94];
	s0 =	simm.s32 @p1 $0x1  }
0x15: {  	[smem:$0x3FB1] =	sst s0;
	s0 =	simm.s32 @!p2 $0x0  }
0x16: {  	s3 =	sld [smem:$0x3FDB];
	s0 =	simm.s32 @p2 $0x1  }
0x17: {  	s4 =	simm.s32 $0x1BF5;
	[smem:$0x3FB3] =	sst s0  }
0x18: {  	s0 =	sld [smem:$0x3F96];
	_ =	swait.ge [sflag:s4], $0x0  }
0x19: {  	s7 =	sld [smem:$0x3F97]  }
0x1a: {  	s8 =	sadd.s32 $0xFFFFE003, lr  }
0x1b: {  	s9 =	sadd.s32 $0xFFFFFEF7, lr;
	s5 =	simm.s32 $0xFFFFFFFF;
	p2 =	slt.u32 s8, $0xFFFFF086  }
0x1c: {  	p1 =	slt.u32 s9, $0xF7A;
	s5 =	simm.s32 @!p2 $0x0  }
0x1d: {  	s5 =	simm.s32 @p1 $0x1;
	p0 =	seq.s32 s7, s2  }
0x1e: {  	s7 =	smul.u32 @!p0 $0xF7A, s2;
	p2 =	seq.s32 @!p0 s5, $0x0  }
0x1f: {  	s9 =	smul.u32 $0xF7A, s1;
	s8 =	simm.s32 @!p0 $0x1BF5;
	p2 =	por !p2, p0  }
0x20: {  	[sflag:s8] =	ssyncset.s32 @!p0 $0xFFFFF086;
	s6 =	sadd.s32 @!p0 s3, s7;
	s7 =	simm.s32 @!p0 $0x108  }
0x21: {  	s3 =	sadd.s32 s3, s9;
	s6 =	sadd.s32 @!p0 $0x88, s6;
	s7 =	simm.s32 @p2 $0x1082  }
0x22: {  	[simem:s7], [sflag:s8] =	dma.local @!p0 [hbm:s6], $0xF7A  }
0x23: {  	s9 =	sor.u32 $0xD0000000, s2;
	s6 =	simm.s32 $0x108;
	_ =	swait.ge @!p0 [sflag:s8], $0x0  }
0x24: {  	s3 =	sadd.s32 $0x88, s3;
	s6 =	simm.s32 @!p1 $0x1082;
	[sflag:s4] =	ssyncset.s32 $0xFFFFF086  }
0x25: {  	[simem:s6], [sflag:s4] =	dma.local [hbm:s3], $0xF7A  }
0x26: {  	[smem:$0x3F97] =	sst s1;
	(tag) =	ssettag s2;
	_ =	strace s9  }
0x27: {  	s1 =	sld [smem:$0x3FA7]  }
0x28: {  	s2 =	sld [smem:$0x3FA8]  }
0x29: {  	s4 =	sld [smem:$0x3FAA]  }
0x2a: {  	p0 =	seq.s32 s5, $0x0;
	s5 =	sld [smem:$0x3FAB]  }
0x2b: {  	s6 =	sld [smem:$0x3FAC]  }
0x2c: {  	s7 =	sld [smem:$0x3FAD]  }
0x2d: {  	s3 =	simm.s32 $0x108;
	s8 =	sld [smem:$0x3FAE]  }
0x2e: {  	s3 =	simm.s32 @!p0 $0x1082;
	s9 =	sld [smem:$0x3FAF]  }
0x2f: {  	lr =	sadd.s32 s0, s3;
	s0 =	sld [smem:$0x3FA6]  }
0x30: {  	s3 =	sld [smem:$0x3FA9]  }
0x31: {  	[smem:$0x3FB2] =	sst s10  }
0x32: {  	s10 =	sld [smem:$0x3FB0];
	_ =	sdelay $0x3  }
0x33: {  	p0 =	seq.s32 s10, $0x1;
	s10 =	sld [smem:$0x3FB2];
	_ =	sdelay $0x3  }
0x34: {  	[smem:$0x3FB2] =	sst s10  }
0x35: {  	s10 =	sld [smem:$0x3FB1];
	_ =	sdelay $0x3  }
0x36: {  	p1 =	seq.s32 s10, $0x1;
	s10 =	sld [smem:$0x3FB2];
	_ =	sdelay $0x3  }
0x37: {  	[smem:$0x3FB2] =	sst s10  }
0x38: {  	s10 =	sld [smem:$0x3FB3]  }
0x39: {  	_ = 	snop;
	(pc) =	sbr.ind lr, $3  }
0x3a: {  	_ = 	snop  }
0x3b: {  	_ = 	snop  }
0x3c: {  	p2 =	seq.s32 s10, $0x1;
	s10 =	sld [smem:$0x3FB2]  }
0x3d: {  	_ =	shalt  }
0x3e: {  	_ =	shalt  }
0x3f: {  	_ =	shalt  }
0x40: {  	_ =	shalt  }
0x41: {  	_ =	shalt  }
0x42: {  	_ =	shalt  }
0x43: {  	_ =	shalt  }
0x44: {  	_ =	shalt  }
0x45: {  	_ =	shalt  }
0x46: {  	_ =	shalt  }
0x47: {  	_ =	shalt  }
0x48: {  	_ =	shalt  }
0x49: {  	_ =	shalt  }
0x4a: {  	_ =	shalt  }
0x4b: {  	_ =	shalt  }
0x4c: {  	_ =	shalt  }
0x4d: {  	_ =	shalt  }
0x4e: {  	_ =	shalt  }
0x4f: {  	_ =	shalt  }
0x50: {  	_ =	shalt  }
0x51: {  	_ =	shalt  }
0x52: {  	_ =	shalt  }
0x53: {  	_ =	shalt  }
0x54: {  	_ =	shalt  }
0x55: {  	_ =	shalt  }
0x56: {  	_ =	shalt  }
0x57: {  	_ =	shalt  }
0x58: {  	_ =	shalt  }
0x59: {  	_ =	shalt  }
0x5a: {  	_ =	shalt  }
0x5b: {  	_ =	shalt  }
0x5c: {  	_ =	shalt  }
0x5d: {  	_ =	shalt  }
0x5e: {  	_ =	shalt  }
0x5f: {  	_ =	shalt  }
0x60: {  	_ =	shalt  }
0x61: {  	_ =	shalt  }
0x62: {  	_ =	shalt  }
0x63: {  	_ =	shalt  }
0x64: {  	_ =	shalt  }
0x65: {  	_ =	shalt  }
0x66: {  	_ =	shalt  }
0x67: {  	_ =	shalt  }
0x68: {  	_ =	shalt  }
0x69: {  	_ =	shalt  }
0x6a: {  	_ =	shalt  }
0x6b: {  	_ =	shalt  }
0x6c: {  	_ =	shalt  }
0x6d: {  	_ =	shalt  }
0x6e: {  	_ =	shalt  }
0x6f: {  	_ =	shalt  }
0x70: {  	_ =	shalt  }
0x71: {  	_ =	shalt  }
0x72: {  	_ =	shalt  }
0x73: {  	_ =	shalt  }
0x74: {  	_ =	shalt  }
0x75: {  	_ =	shalt  }
0x76: {  	_ =	shalt  }
0x77: {  	_ =	shalt  }
0x78: {  	_ =	shalt  }
0x79: {  	_ =	shalt  }
0x7a: {  	_ =	shalt  }
0x7b: {  	_ =	shalt  }
0x7c: {  	_ =	shalt  }
0x7d: {  	_ =	shalt  }
0x7e: {  	_ =	shalt  }
0x7f: {  	_ =	shalt  }
0x80: {  	_ =	shalt  }
0x81: {  	_ =	shalt  }
0x82: {  	_ =	shalt  }
0x83: {  	_ =	shalt  }
0x84: {  	_ =	shalt  }
0x85: {  	_ =	shalt  }
0x86: {  	_ =	shalt  }
0x87: {  	_ =	shalt  }
.Lfunc_end0:
.L_simem_size_0:
called_computation_lowered:
.L_overlay_start_0:
0x88: {  	s2 =	sld [smem:$0x3FD9]  }
0x89: {  	s3 =	sld [smem:$0x3FFE];
	_ =	sdelay $0x1  }
0x8a: {  	s1 =	srdreg.scid  }
0x8b: {  	s0 =	sand.u32 $0x1, s1  }
0x8c: {  	s17 =	sshll.u32 s0, $0xA;
	s2 =	sadd.s32 s3, s2  }
0x8d: {  	s2 =	sadd.s32 s2, s17  }
0x8e: {  	[smem:$0x3FBE] =	sst s2  }
0x8f: {  	_ = 	snop  }
0x90: {  	s2 =	sld [smem:$0x3FC9];
	(tm) =	ssettm $0x1  }
0x91: {  	s18 =	sld [smem:$0x3FFB];
	_ =	sdelay $0x3  }
0x92: {  	_ =	strace s18  }
0x93: {  	s3 =	sld [smem:$0x3FFC];
	_ =	sdelay $0x3  }
0x94: {  	_ =	strace s3  }
0x95: {  	s3 =	sld [smem:$0x3FFD];
	_ =	sdelay $0x3  }
0x96: {  	_ =	strace s3  }
0x97: {  	_ =	strace $0x8FFFFFFF  }
0x98: {  	s19 =	sld [smem:$0x3FDB];
	_ =	sdelay $0x1  }
0x99: {  	s4 =	simm.s32 $_scs_section_size  }
0x9a: {  	s5 =	simm.s32 $_size__tile_overlayer_lowered;
	s6 =	simm.s32 $_tile_overlayer_lowered  }
0x9b: {  	s22 =	simm.s32 $0x1BFF;
	s21 =	sshll.u32 s6, $0x1;
	s3 =	sadd.s32 s4, s19  }
0x9c: {  	s7 =	simm.s32 $0x0;
	s20 =	sshll.u32 s5, $0x1;
	s5 =	sadd.s32 s21, s3  }
0x9d: {  	[timem:s7], [sflag:s22] =	dma.local [hbm:s5], s20  }
0x9e: {  	_ =	swait.ge [sflag:s22], s20  }
0x9f: {  	s4 =	ssub.s32 $0x0, s20;
	[sflag:s22] =	ssyncset.done $0x0  }
0xa0: {  	[sflag:s22] =	ssyncadd.s32 s4;
	_ =	sdelay $0x1  }
0xa1: {  	s23 =	simm.s32 $0x1B8B  }
0xa2: {  	_ =	swait.ge [sflag:s23], $0x1  }
0xa3: {  	[sflag:s23] =	ssyncset.done $0x0  }
0xa4: {  	s25 =	simm.s32 $0x1B8E;
	s24 =	sld [smem:$0x3FFE];
	[sflag:s23] =	ssyncadd.s32 $0xFFFFFFFF  }
0xa5: {  	s26 =	simm.s32 $execute0_lowered;
	[smem:$0x3FD2] =	sst s25  }
0xa6: {  	s5 =	sshll.u32 s26, $0x1;
	_ =	strace $0x80000046;
	[dreg:$0x1] =	wrdreg $0xFFFFFFFF  }
0xa7: {  	s28 =	simm.s32 $_size_execute0_lowered;
	s3 =	sadd.s32 s3, s5;
	[dreg:$0x0] =	wrdreg $0x0  }
0xa8: {  	s5 =	sshll.u32 s28, $0x1;
	[dreg:$0x2] =	wrdreg s3  }
0xa9: {  	[dreg:$0x3] =	wrdreg s5  }
0xaa: {  	[dreg:$0x4] =	wrdreg $0xC0  }
0xab: {  	_ =	task [dreg:s7], $0x5FFFF  }
0xac: {  	[dreg:$0x1] =	wrdreg $0xFFFFFFFF  }
0xad: {  	[dreg:$0x0] =	wrdreg $0x60  }
0xae: {  	[dreg:$0x2] =	wrdreg s24  }
0xaf: {  	[dreg:$0x3] =	wrdreg s2  }
0xb0: {  	[dreg:$0x4] =	wrdreg $0x9  }
0xb1: {  	_ =	task.clear_ibuf [dreg:s7], $0x5FFFF;
	_ =	strace $0x90000046  }
0xb2: {  	s29 =	simm.s32 $0x9;
	_ =	strace $0x80000048  }
0xb3: {  	_ =	swait.ge [sflag:s29], $0x1  }
0xb4: {  	[sflag:s29] =	ssyncadd.s32 $0xFFFFFFFF  }
0xb5: {  	_ =	strace $0x90000048  }
0xb6: {  	_ =	sfence  }
0xb7: {  	s30 =	sld [smem:$0x0];
	_ =	sdelay $0x2  }
0xb8: {  	s31 =	sshll.u32 s1, $0xD;
	s1 =	sshrl.u32 s1, $0x2  }
0xb9: {  	s3 =	sand.u32 $0x4000, s31;
	s1 =	sadd.s32 s1, s30  }
0xba: {  	s0 =	sor.u32 s3, s0;
	s1 =	sshll.u32 s1, $0x11  }
0xbb: {  	s0 =	sor.u32 s1, s0  }
0xbc: {  	s0 =	sadd.s32 $0x8F2B, s0  }
0xbd: {  	[sflag:s0] =	ssyncadd.remote.s32 $0x1  }
0xbe: {  	_ =	sfence.sel $0xFFFF  }
0xbf: {  	[dreg:$0x0] =	wrdreg $0xFFFFFFFF;
	(pc) =	sbr.abs _section_cstart, $3  }
0xc0: {  	[dreg:$0x1] =	wrdreg $0xFFFFFFFF  }
0xc1: {  	_ =	task.clear_ibuf [dreg:s7], $0x2FFFF;
	_ =	strace $0x9FFFFFFF  }
0xc2: {  	(tm) =	ssettm $0x7FFFFFFF  }
0xc3: {  	_ =	shalt  }
tec
execute0_lowered:
.L_overlay_start_1:
0x0: {  	(tag) =	ssettag $0x1  }
0x1: {  	s4 =	rddreg [dreg:$0x0]  }
0x2: {  	s5 =	rddreg [dreg:$0x1];
	s2 =	simm.s32 $0x0  }
0x3: {  	s3 =	srdreg.scid;
	s0 =	stileid.u32;
	s10 =	simm.s32 $0x0  }
0x4: {  	vm0 =	vmmov $0x1;
	[smem:$0x7FF] =	sst s2;
	s6 =	sand.u32 $0x1, s3;
	s7 =	sshll.u32 s0, $0xA  }
0x5: {  	vm1 =	vcmask $0x308;
	vm2 =	vcmask $0x70C;
	vm3 =	vcmask $0xB10;
	s3 =	sadd.s32 $0x1600, s4;
	s8 =	sshll.u32 s6, $0x9;
	s6 =	ssub.s32 $0x2, s6  }
0x6: {  	vm4 =	vcmask $0xF14;
	vm5 =	vcmask $0x1318;
	vm6 =	vcmask $0x171C;
	_ =	strace $0x80000047;
	s7 =	sor.u32 s8, s7;
	s9 =	sshrl.u32 s6, $0x1  }
0x7: {  	vm7 =	vcmask $0x1B20;
	vm8 =	vcmask $0x1F24;
	vm9 =	vcmask $0x2328;
	s8 =	sshll.u32 s7, $0x4;
	s7 =	sshrl.u32 s7, $0x3;
	s6 =	ssub.s32 s6, s9  }
0x8: {  	vm10 =	vcmask $0x272C;
	vm11 =	vcmask $0x2B30;
	vm12 =	vcmask $0x2F34;
	s8 =	sadd.s32 s8, s4;
	s4 =	sadd.s32 s5, s7;
	s6 =	smax.u32 s6, $0x1  }
0x9: {  	vm13 =	vcmask $0x3338;
	vm14 =	vcmask $0x373C;
	vm15 =	vmmov $0x7fff;
	s7 =	simm.s32 $0x2;
	s5 =	sadd.s32 $0xF43A00, s8;
	s8 =	simm.s32 $0x1  }
.LBB2_1:
0xa: {  	[tilespmem:s2], [sflag:$0x2] =	stream.linear.gather [hbm4b:s4+s2], $0x200, $0x38;
	[tilespmem:$0x10200] =	vst v63  }
0xb: {  	_ =	swait.ge [sflag:s7], $0x200  }
0xc: {  	[sflag:s7] =	ssyncset.done $0x0  }
0xd: {  	[sflag:s7] =	ssyncadd.s32 $0xFFFFFE00  }
0xe: {  	v0 =	vld [tilespmem:s2+$0x0];
	_ =	sdelay $0x4  }
0xf: {  	v1 =	vnsel vm0, $0x0, v0  }
0x10: {  	v2 =	vsel vm2, $0x0, v0;
	(xrf0) =	vadd.scan.msk.s32 $0xffff, v1  }
0x11: {  	v40 =	vsel vm3, $0x0, v0;
	(xrf0) =	vadd.scan.msk.s32 $0xffff, v2  }
0x12: {  	v41 =	vsel vm1, $0x0, v0;
	(xrf0) =	vadd.scan.msk.s32 $0xffff, v40  }
0x13: {  	(xrf0) =	vadd.scan.msk.s32 $0xffff, v41;
	_ =	sdelay $0x2  }
0x14: {  	v42, _, _ =	vpop (xrf0)  }
0x15: {  	v43 =	vsel vm8, $0x0, v0;
	(v2sf) =	vpush v42, $0xF;
	v44, _, _ =	vpop (xrf0)  }
0x16: {  	v3 =	vsel vm9, $0x0, v0;
	(xrf0) =	vadd.scan.msk.s32 $0xffff, v43;
	(v2sf) =	vpush v44, $0xF;
	v45, _, _ =	vpop (xrf0)  }
0x17: {  	v46 =	vsel vm5, $0x0, v0;
	(xrf0) =	vadd.scan.msk.s32 $0xffff, v3;
	v47, _, _ =	vpop (xrf0);
	(v2sf) =	vpush v45, $0xF  }
0x18: {  	v48 =	vsel vm4, $0x0, v0;
	(xrf0) =	vadd.scan.msk.s32 $0xffff, v46;
	(v2sf) =	vpush v47, $0xF  }
0x19: {  	(xrf0) =	vadd.scan.msk.s32 $0xffff, v48;
	_ =	sdelay $0x1  }
0x1a: {  	v49 =	vsel vm10, $0x0, v0  }
0x1b: {  	v50 =	vsel vm11, $0x0, v0;
	(xrf0) =	vadd.scan.msk.s32 $0xffff, v49;
	v51, _, _ =	vpop (xrf0)  }
0x1c: {  	v52 =	vsel vm12, $0x0, v0;
	(xrf0) =	vadd.scan.msk.s32 $0xffff, v50;
	v53, _, _ =	vpop (xrf0)  }
0x1d: {  	v4 =	vsel vm13, $0x0, v0;
	(xrf0) =	vadd.scan.msk.s32 $0xffff, v52;
	(v2sf) =	vpush v51, $0xF;
	v54, _, _ =	vpop (xrf0)  }
0x1e: {  	v55 =	vsel vm14, $0x0, v0;
	(xrf0) =	vadd.scan.msk.s32 $0xffff, v4;
	v56, _, _ =	vpop (xrf0)  }
0x1f: {  	v5 =	vsel vm6, $0x0, v0;
	(xrf0) =	vadd.scan.msk.s32 $0xffff, v55;
	(v2sf) =	vpush v56, $0xF  }
0x20: {  	v57 =	vsel vm7, $0x0, v0;
	(xrf0) =	vadd.scan.msk.s32 $0xffff, v5  }
0x21: {  	s11 =	simm.s32 $0x2000;
	s12 =	simm.s32 $0x0;
	s20 =	simm.s32 $0x300;
	(xrf0) =	vadd.scan.msk.s32 $0xffff, v57;
	v58, _, _ =	vpop (xrf0);
	(v2sf) =	vpush v54, $0xF  }
0x22: {  	s21 =	simm.s32 $0x400;
	s16 =	simm.s32 $0x580;
	s13 =	simm.s32 $0x200;
	v59, _, _ =	vpop (xrf0)  }
0x23: {  	s22 =	simm.s32 $0x280;
	s17 =	simm.s32 $0x500;
	(v2sf) =	vpush v58, $0xF;
	v60, _, _ =	vpop (xrf0);
	s14 =	spop (v2sf)  }
0x24: {  	s23 =	simm.s32 $0x480;
	v61, _, _ =	vpop (xrf0);
	s14 =	sshll.u32 s14, $0x4;
	s24 =	spop (v2sf)  }
0x25: {  	s15 =	simm.s32 $0x800;
	v62, _, _ =	vpop (xrf0);
	(v2sf) =	vpush v53, $0xF;
	s18 =	sand.u32 $0x1FFFFFF0, s14;
	s25 =	spop (v2sf)  }
0x26: {  	s19 =	simm.s32 $0x700;
	v63, _, _ =	vpop (xrf0);
	s18 =	sadd.s32 s3, s18;
	s26 =	spop (v2sf)  }
0x27: {  	v6, _, _ =	vpop (xrf0);
	(v2sf) =	vpush v63, $0xF;
	[tilespmem:s13], [sflag:$0x1] =	stream.linear.gather [hbm4b:s18+s2], $0x80, $0x38;
	[tilespmem:$0x10200] =	vst v63  }
0x28: {  	s0 =	simm.s32 $0x380;
	(v2sf) =	vpush v6, $0xF;
	s24 =	sshll.u32 s24, $0x4;
	s26 =	sshll.u32 s26, $0x4  }
0x29: {  	s14 =	simm.s32 $0x880;
	s24 =	sand.u32 $0x1FFFFFF0, s24;
	s26 =	sand.u32 $0x1FFFFFF0, s26  }
0x2a: {  	s25 =	sshll.u32 s25, $0x4;
	(v2sf) =	vpush v59, $0xF;
	s13 =	simm.s32 $0x10;
	s26 =	sadd.s32 s3, s26  }
0x2b: {  	[tilespmem:s22], [sflag:$0x1] =	stream.linear.gather [hbm4b:s26+s2], $0x80, $0x38;
	[tilespmem:$0x10200] =	vst v63  }
0x2c: {  	s25 =	sand.u32 $0x1FFFFFF0, s25;
	s24 =	sadd.s32 s3, s24;
	s30 =	spop (v2sf)  }
0x2d: {  	v0 =	vsel vm15, $0x0, v0;
	[tilespmem:s20], [sflag:$0x1] =	stream.linear.gather [hbm4b:s24+s2], $0x80, $0x38;
	[tilespmem:$0x10200] =	vst v63  }
0x2e: {  	(xrf0) =	vadd.scan.msk.s32 $0xffff, v0;
	s18 =	simm.s32 $0x780;
	(v2sf) =	vpush v60, $0xF;
	s25 =	sadd.s32 s3, s25;
	s31 =	spop (v2sf)  }
0x2f: {  	[tilespmem:s0], [sflag:$0x1] =	stream.linear.gather [hbm4b:s25+s2], $0x80, $0x38;
	[tilespmem:$0x10200] =	vst v63  }
0x30: {  	(v2sf) =	vpush v61, $0xF;
	s22 =	sshll.u32 s30, $0x4;
	s24 =	sshll.u32 s31, $0x4;
	s1 =	spop (v2sf)  }
0x31: {  	s20 =	simm.s32 $0x680;
	s24 =	sand.u32 $0x1FFFFFF0, s24;
	s25 =	sshll.u32 s1, $0x4  }
0x32: {  	s9 =	spop (v2sf);
	s25 =	sand.u32 $0x1FFFFFF0, s25;
	s24 =	sadd.s32 s3, s24  }
0x33: {  	[tilespmem:s21], [sflag:$0x1] =	stream.linear.gather [hbm4b:s24+s2], $0x80, $0x38;
	[tilespmem:$0x10200] =	vst v63  }
0x34: {  	s30 =	sshll.u32 s9, $0x4;
	s25 =	sadd.s32 s3, s25;
	s29 =	spop (v2sf);
	(v2sf) =	vpush v62, $0xF  }
0x35: {  	v0, _, _ =	vpop (xrf0);
	[tilespmem:s23], [sflag:$0x1] =	stream.linear.gather [hbm4b:s25+s2], $0x80, $0x38;
	[tilespmem:$0x10200] =	vst v63  }
0x36: {  	s24 =	simm.s32 $0x600;
	s26 =	sand.u32 $0x1FFFFFF0, s30;
	s31 =	spop (v2sf);
	(v2sf) =	vpush v0, $0xF  }
0x37: {  	s25 =	sand.u32 $0x1FFFFFF0, s22;
	s23 =	sshll.u32 s31, $0x4;
	s28 =	spop (v2sf)  }
0x38: {  	s22 =	sshll.u32 s29, $0x4;
	s21 =	sand.u32 $0x1FFFFFF0, s23;
	s28 =	sshll.u32 s28, $0x4  }
.LBB2_2:
0x39: {  	s21 =	sadd.s32 s3, s21;
	s23 =	sand.u32 $0x1FFFFFF0, s28;
	s28 =	spop (v2sf)  }
0x3a: {  	[tilespmem:s17], [sflag:$0x1] =	stream.linear.gather [hbm4b:s21+s2], $0x80, $0x38;
	[tilespmem:$0x10200] =	vst v63  }
0x3b: {  	s17 =	sadd.s32 s3, s23;
	s21 =	sand.u32 $0x1FFFFFF0, s22;
	s22 =	sshll.u32 s28, $0x4  }
0x3c: {  	[tilespmem:s16], [sflag:$0x1] =	stream.linear.gather [hbm4b:s17+s2], $0x80, $0x38;
	[tilespmem:$0x10200] =	vst v63  }
0x3d: {  	s16 =	sadd.s32 s3, s25;
	s17 =	sand.u32 $0x1FFFFFF0, s22;
	s22 =	spop (v2sf)  }
0x3e: {  	[tilespmem:s24], [sflag:$0x1] =	stream.linear.gather [hbm4b:s16+s2], $0x80, $0x38;
	[tilespmem:$0x10200] =	vst v63  }
0x3f: {  	s16 =	sadd.s32 s3, s21;
	s21 =	sshll.u32 s22, $0x4;
	s22 =	spop (v2sf)  }
0x40: {  	[tilespmem:s20], [sflag:$0x1] =	stream.linear.gather [hbm4b:s16+s2], $0x80, $0x38;
	[tilespmem:$0x10200] =	vst v63  }
0x41: {  	s16 =	sadd.s32 s3, s26;
	s20 =	sand.u32 $0x1FFFFFF0, s21;
	s21 =	sshll.u32 s22, $0x4  }
0x42: {  	[tilespmem:s19], [sflag:$0x1] =	stream.linear.gather [hbm4b:s16+s2], $0x80, $0x38;
	[tilespmem:$0x10200] =	vst v63  }
0x43: {  	s16 =	sadd.s32 s3, s17;
	s17 =	sand.u32 $0x1FFFFFF0, s21;
	s19 =	spop (v2sf)  }
0x44: {  	[tilespmem:s18], [sflag:$0x1] =	stream.linear.gather [hbm4b:s16+s2], $0x80, $0x38;
	[tilespmem:$0x10200] =	vst v63  }
0x45: {  	s16 =	sadd.s32 s3, s20;
	s18 =	sshll.u32 s19, $0x4;
	s19 =	spop (v2sf)  }
0x46: {  	[tilespmem:s15], [sflag:$0x1] =	stream.linear.gather [hbm4b:s16+s2], $0x80, $0x38;
	[tilespmem:$0x10200] =	vst v63  }
0x47: {  	s15 =	sadd.s32 s3, s17;
	s16 =	sand.u32 $0x1FFFFFF0, s18;
	s17 =	sshll.u32 s19, $0x4  }
0x48: {  	[tilespmem:s14], [sflag:$0x1] =	stream.linear.gather [hbm4b:s15+s2], $0x80, $0x38;
	[tilespmem:$0x10200] =	vst v63  }
0x49: {  	s14 =	sadd.s32 $0x900, s12;
	s15 =	sadd.s32 s3, s16;
	s16 =	sand.u32 $0x1FFFFFF0, s17  }
0x4a: {  	[tilespmem:s14], [sflag:$0x1] =	stream.linear.gather [hbm4b:s15+s2], $0x80, $0x38;
	[tilespmem:$0x10200] =	vst v63  }
0x4b: {  	p0 =	sne.s32 s11, $0x3E000;
	s12 =	sadd.s32 $0x980, s12;
	s14 =	sadd.s32 s3, s16  }
0x4c: {  	[tilespmem:s12], [sflag:$0x1] =	stream.linear.gather [hbm4b:s14+s2], $0x80, $0x38;
	[tilespmem:$0x10200] =	vst v63  }
0x4d: {  	s12 =	smov.u32 s11;
	s11 =	sadd.s32 $0x2000, s11;
	v0 =	vld [tilespmem:s13+$0x0];
	_ =	sdelay $0x4  }
0x4e: {  	v1 =	vnsel vm0, $0x0, v0;
	v2 =	vsel vm3, $0x0, v0;
	v3 =	vsel vm14, $0x0, v0  }
0x4f: {  	v4 =	vsel vm2, $0x0, v0;
	v5 =	vsel vm15, $0x0, v0;
	(xrf0) =	vadd.scan.msk.s32 $0xffff, v1  }
0x50: {  	v6 =	vsel vm6, $0x0, v0;
	v1 =	vsel vm1, $0x0, v0;
	(xrf0) =	vadd.scan.msk.s32 $0xffff, v4  }
0x51: {  	v4 =	vsel vm7, $0x0, v0;
	(xrf0) =	vadd.scan.msk.s32 $0xffff, v2  }
0x52: {  	v2 =	vsel vm8, $0x0, v0;
	(xrf0) =	vadd.scan.msk.s32 $0xffff, v1  }
0x53: {  	v1 =	vsel vm9, $0x0, v0;
	(xrf0) =	vadd.scan.msk.s32 $0xffff, v2  }
0x54: {  	v2 =	vsel vm5, $0x0, v0;
	(xrf0) =	vadd.scan.msk.s32 $0xffff, v1  }
0x55: {  	v1 =	vsel vm4, $0x0, v0;
	v7, _, _ =	vpop (xrf0);
	(xrf0) =	vadd.scan.msk.s32 $0xffff, v2  }
0x56: {  	v2 =	vsel vm10, $0x0, v0;
	(v2sf) =	vpush v7, $0xF;
	v7, _, _ =	vpop (xrf0);
	(xrf0) =	vadd.scan.msk.s32 $0xffff, v1  }
0x57: {  	v9 =	vsel vm11, $0x0, v0;
	(v2sf) =	vpush v7, $0xF;
	v7, _, _ =	vpop (xrf0);
	(xrf0) =	vadd.scan.msk.s32 $0xffff, v2  }
0x58: {  	s12 =	sshra.s32 s12, $0x2;
	v2 =	vsel vm12, $0x0, v0;
	v8, _, _ =	vpop (xrf0);
	(v2sf) =	vpush v7, $0xF;
	(xrf0) =	vadd.scan.msk.s32 $0xffff, v9  }
0x59: {  	s22 =	sadd.s32 $0x300, s12;
	v7 =	vsel vm13, $0x0, v0;
	(v2sf) =	vpush v8, $0xF;
	v1, _, _ =	vpop (xrf0);
	(xrf0) =	vadd.scan.msk.s32 $0xffff, v2  }
0x5a: {  	s21 =	sadd.s32 $0x400, s12;
	s16 =	sadd.s32 $0x580, s12;
	(v2sf) =	vpush v1, $0xF;
	v1, _, _ =	vpop (xrf0);
	(xrf0) =	vadd.scan.msk.s32 $0xffff, v7  }
0x5b: {  	s24 =	sadd.s32 $0x200, s12;
	s26 =	sadd.s32 $0x280, s12;
	v0, _, _ =	vpop (xrf0);
	(xrf0) =	vadd.scan.msk.s32 $0xffff, v3  }
0x5c: {  	s17 =	sadd.s32 $0x500, s12;
	v2, _, _ =	vpop (xrf0);
	(xrf0) =	vadd.scan.msk.s32 $0xffff, v6  }
0x5d: {  	s23 =	sadd.s32 $0x480, s12;
	(v2sf) =	vpush v2, $0xF;
	(xrf0) =	vadd.scan.msk.s32 $0xffff, v4;
	v2, _, _ =	vpop (xrf0)  }
0x5e: {  	(v2sf) =	vpush v0, $0xF;
	v0, _, _ =	vpop (xrf0);
	(xrf0) =	vadd.scan.msk.s32 $0xffff, v5  }
0x5f: {  	(v2sf) =	vpush v2, $0xF;
	v2, _, _ =	vpop (xrf0)  }
0x60: {  	v3, _, _ =	vpop (xrf0)  }
0x61: {  	v4, _, _ =	vpop (xrf0)  }
0x62: {  	v5, _, _ =	vpop (xrf0);
	(v2sf) =	vpush v1, $0xF  }
0x63: {  	v1, _, _ =	vpop (xrf0)  }
0x64: {  	s13 =	sadd.s32 $0x10, s13;
	s15 =	sadd.s32 $0x800, s12;
	s14 =	sadd.s32 $0x880, s12;
	(v2sf) =	vpush v5, $0xF;
	v5, _, _ =	vpop (xrf0)  }
0x65: {  	s19 =	sadd.s32 $0x700, s12;
	s18 =	sadd.s32 $0x780, s12;
	s20 =	spop (v2sf)  }
0x66: {  	s25 =	sshll.u32 s20, $0x4;
	s20 =	sadd.s32 $0x680, s12;
	s28 =	spop (v2sf);
	(v2sf) =	vpush v1, $0xF  }
0x67: {  	s25 =	sand.u32 $0x1FFFFFF0, s25;
	s28 =	sshll.u32 s28, $0x4;
	s29 =	spop (v2sf)  }
0x68: {  	s25 =	sadd.s32 s3, s25;
	s28 =	sand.u32 $0x1FFFFFF0, s28;
	s30 =	spop (v2sf)  }
0x69: {  	s29 =	sshll.u32 s29, $0x4;
	s30 =	sshll.u32 s30, $0x4;
	s31 =	spop (v2sf)  }
0x6a: {  	s29 =	sand.u32 $0x1FFFFFF0, s29;
	s30 =	sand.u32 $0x1FFFFFF0, s30;
	s31 =	sshll.u32 s31, $0x4;
	(v2sf) =	vpush v0, $0xF  }
0x6b: {  	[tilespmem:s24], [sflag:$0x1] =	stream.linear.gather [hbm4b:s25+s2], $0x80, $0x38;
	[tilespmem:$0x10200] =	vst v63  }
0x6c: {  	s24 =	sadd.s32 $0x600, s12;
	s25 =	sand.u32 $0x1FFFFFF0, s31;
	s31 =	spop (v2sf)  }
0x6d: {  	s0 =	sadd.s32 $0x380, s12;
	s31 =	sshll.u32 s31, $0x4;
	s1 =	spop (v2sf)  }
0x6e: {  	s31 =	sand.u32 $0x1FFFFFF0, s31;
	s1 =	sshll.u32 s1, $0x4;
	s9 =	spop (v2sf);
	(v2sf) =	vpush v2, $0xF  }
0x6f: {  	s30 =	sadd.s32 s3, s30;
	s1 =	sand.u32 $0x1FFFFFF0, s1;
	s9 =	sshll.u32 s9, $0x4  }
0x70: {  	[tilespmem:s26], [sflag:$0x1] =	stream.linear.gather [hbm4b:s30+s2], $0x80, $0x38;
	(v2sf) =	vpush v3, $0xF;
	[tilespmem:$0x10200] =	vst v63  }
0x71: {  	s28 =	sadd.s32 s3, s28;
	s26 =	sand.u32 $0x1FFFFFF0, s9;
	s9 =	spop (v2sf)  }
0x72: {  	[tilespmem:s22], [sflag:$0x1] =	stream.linear.gather [hbm4b:s28+s2], $0x80, $0x38;
	[tilespmem:$0x10200] =	vst v63  }
0x73: {  	s28 =	sadd.s32 s3, s29;
	s22 =	sshll.u32 s9, $0x4;
	s9 =	spop (v2sf)  }
0x74: {  	[tilespmem:s0], [sflag:$0x1] =	stream.linear.gather [hbm4b:s28+s2], $0x80, $0x38;
	[tilespmem:$0x10200] =	vst v63  }
.Ltmp0:
0x75: {  	(v2sf) =	vpush v4, $0xF;
	(pc) =	sbr.rel @p0 .LBB2_2-.Ltmp0, $4  }
0x76: {  	s0 =	sadd.s32 s3, s31;
	s9 =	sshll.u32 s9, $0x4;
	s28 =	spop (v2sf)  }
0x77: {  	[tilespmem:s21], [sflag:$0x1] =	stream.linear.gather [hbm4b:s0+s2], $0x80, $0x38;
	(v2sf) =	vpush v5, $0xF;
	[tilespmem:$0x10200] =	vst v63  }
0x78: {  	s0 =	sadd.s32 s3, s1;
	s21 =	sand.u32 $0x1FFFFFF0, s9;
	s28 =	sshll.u32 s28, $0x4  }
0x79: {  	[tilespmem:s23], [sflag:$0x1] =	stream.linear.gather [hbm4b:s0+s2], $0x80, $0x38;
	[tilespmem:$0x10200] =	vst v63  }
0x7a: {  	s0 =	sadd.s32 s3, s21;
	s1 =	sand.u32 $0x1FFFFFF0, s28;
	s9 =	spop (v2sf)  }
0x7b: {  	[tilespmem:s17], [sflag:$0x1] =	stream.linear.gather [hbm4b:s0+s2], $0x80, $0x38;
	[tilespmem:$0x10200] =	vst v63  }
0x7c: {  	s30 =	sand.u32 $0x1FFFFFF0, s22;
	s31 =	sadd.s32 s3, s25;
	s29 =	sadd.s32 s3, s1  }
0x7d: {  	[tilespmem:s16], [sflag:$0x1] =	stream.linear.gather [hbm4b:s29+s2], $0x80, $0x38;
	[tilespmem:$0x10200] =	vst v63  }
0x7e: {  	s9 =	sshll.u32 s9, $0x4;
	s1 =	sadd.s32 s3, s30;
	s11 =	spop (v2sf)  }
0x7f: {  	[tilespmem:s24], [sflag:$0x1] =	stream.linear.gather [hbm4b:s31+s2], $0x80, $0x38;
	[tilespmem:$0x10200] =	vst v63  }
0x80: {  	s17 =	sadd.s32 s3, s26;
	s13 =	sshll.u32 s11, $0x4;
	s16 =	spop (v2sf)  }
0x81: {  	[tilespmem:s20], [sflag:$0x1] =	stream.linear.gather [hbm4b:s1+s2], $0x80, $0x38;
	[tilespmem:$0x10200] =	vst v63  }
0x82: {  	s9 =	sand.u32 $0x1FFFFFF0, s9;
	s11 =	sshll.u32 s16, $0x4;
	s1 =	sand.u32 $0x1FFFFFF0, s13  }
0x83: {  	[tilespmem:s19], [sflag:$0x1] =	stream.linear.gather [hbm4b:s17+s2], $0x80, $0x38;
	[tilespmem:$0x10200] =	vst v63  }
0x84: {  	s20 =	sadd.s32 s3, s9;
	s21 =	sand.u32 $0x1FFFFFF0, s11;
	s22 =	spop (v2sf)  }
0x85: {  	[tilespmem:s18], [sflag:$0x1] =	stream.linear.gather [hbm4b:s20+s2], $0x80, $0x38;
	[tilespmem:$0x10200] =	vst v63  }
0x86: {  	s23 =	sadd.s32 s3, s1;
	s24 =	sshll.u32 s22, $0x4;
	s25 =	spop (v2sf)  }
0x87: {  	[tilespmem:s15], [sflag:$0x1] =	stream.linear.gather [hbm4b:s23+s2], $0x80, $0x38;
	[tilespmem:$0x10200] =	vst v63  }
0x88: {  	s26 =	sadd.s32 s3, s21;
	s1 =	sand.u32 $0x1FFFFFF0, s24;
	s28 =	sshll.u32 s25, $0x4  }
0x89: {  	[tilespmem:s14], [sflag:$0x1] =	stream.linear.gather [hbm4b:s26+s2], $0x80, $0x38;
	[tilespmem:$0x10200] =	vst v63  }
0x8a: {  	s29 =	sadd.s32 $0x900, s12;
	s1 =	sadd.s32 s3, s1;
	s9 =	sand.u32 $0x1FFFFFF0, s28  }
0x8b: {  	[tilespmem:s29], [sflag:$0x1] =	stream.linear.gather [hbm4b:s1+s2], $0x80, $0x38;
	[tilespmem:$0x10200] =	vst v63  }
0x8c: {  	s30 =	sadd.s32 $0x980, s12;
	s31 =	sadd.s32 s3, s9  }
0x8d: {  	[tilespmem:s30], [sflag:$0x1] =	stream.linear.gather [hbm4b:s31+s2], $0x80, $0x38;
	[tilespmem:$0x10200] =	vst v63  }
0x8e: {  	_ =	swait.ge [sflag:s8], $0x80  }
0x8f: {  	s11 =	simm.s32 $0x1FF;
	[sflag:s8] =	ssyncset.done $0x0  }
.LBB2_4:
0x90: {  	p0 =	sne.s32 s11, $0x1;
	s11 =	sadd.s32 $0xFFFFFFFF, s11;
	[sflag:s8] =	ssyncadd.s32 $0xFFFFFF80  }
.Ltmp1:
0x91: {  	(pc) =	sbr.rel @p0 .LBB2_4-.Ltmp1, $3  }
0x92: {  	_ =	sdelay $0x1  }
0x93: {  	_ =	swait.ge [sflag:s8], $0x80  }
0x94: {  	[sflag:s8] =	ssyncset.done $0x0  }
0x95: {  	s10 =	sadd.s32 $0x1, s10  }
0x96: {  	p0 =	sne.s32 s10, s6  }
.Ltmp2:
0x97: {  	[sflag:s8] =	ssyncadd.s32 $0xFFFFFF80;
	s0 =	simm.s32 $0x200;
	(pc) =	sbr.rel @p0 .LBB2_1-.Ltmp2, $4  }
0x98: {  	[hbm4b:s5+s2] =	stream.linear.scatter [tilespmem:s0], [sflag:$0x2], $0x10000, $0x38;
	[tilespmem:$0x10200] =	vst v63  }
0x99: {  	_ =	swait.ge [sflag:s7], $0x10000  }
0x9a: {  	[sflag:s7] =	ssyncset.done $0x0  }
0x9b: {  	[sflag:s7] =	ssyncadd.s32 $0xFFFF0000  }
0x9c: {  	_ =	sfence.sel $0x180000  }
0x9d: {  	[bflag:$0x0] =	sbarrier.arrive $0xFFFF  }
0x9e: {  	_ =	strace $0x90000047  }
0x9f: {  	s0 =	stileid.u32;
	[bflag:$0x2] =	sbarrier.arrive $0xFFFF  }
0xa0: {  	p0 =	sne.s32 s0, $0x0;
	s0 =	rddreg [dreg:$0x2]  }
0xa1: {  	s0 =	sadd.s32 @!p0 $0x100000, s0  }
0xa2: {  	[sflag:s0] =	ssyncadd.tile.s32 @!p0 $0x1;
	_ =	shalt  }
.Lfunc_end2:
_tile_overlayer_lowered:
.L_overlay_start_2:
0xa3: {  	(tag) =	ssettag $0x2  }
0xa4: {  	s0 =	rddreg [dreg:$0x0];
	s2 =	stileid.u32  }
0xa5: {  	s1 =	rddreg [dreg:$0x1];
	p0 =	sne.s32 s2, $0x0  }
0xa6: {  	s3 =	rddreg [dreg:$0x2];
	[bflag:$0x3] =	sbarrier.arrive $0xFFFF;
	s2 =	simm.s32 @!p0 $0x1C02  }
0xa7: {  	[timem:s3], [sflag:s2] =	dma.local @!p0 [hbm:s0], s1  }
0xa8: {  	s0 =	simm.s32 @!p0 $0x2  }
0xa9: {  	_ =	swait.ge @!p0 [sflag:s0], s1  }
0xaa: {  	s1 =	ssub.s32 @!p0 $0x0, s1;
	[sflag:s0] =	ssyncset.done @!p0 $0x0  }
0xab: {  	[sflag:s0] =	ssyncadd.s32 @!p0 s1  }
0xac: {  	[bflag:$0x3] =	sbarrier.arrive $0xFFFF  }
0xad: {  	_ =	shalt  }

</sc_bundles>
